<compile_context>
chip_gen: v7x
topology: tpu7x:2x2x1
jax: 0.10.2.dev20260603
libtpu: 0.0.44.dev20260713+nightly
codegen_flags: <defaults>
</compile_context>

<pallas_src>
import functools

import jax
import jax.numpy as jnp
from jax import lax
from jax.experimental import pallas as pl
from jax.experimental.pallas import tpu as pltpu
from jax.experimental.pallas import tpu_sc as plsc

N_NODES = 10000
N_EDGES = 320000
D_FEAT = 128
HIDDEN = 128
N_CLASSES = 64

NC, NS = 2, 16
NW = NC * NS
CH = 128
N_PAD = 10240
ROWS_PER_SUB = N_PAD // NS
T = 79
E_PAD = NW * T * CH

_MESH = dict(mesh=plsc.VectorSubcoreMesh(core_axis_name="c", subcore_axis_name="s"))


def _zero_rows(buf, nrows, ncols16):
    z16 = jnp.zeros((16,), jnp.float32)

    def body(k, _):
        i = k // ncols16
        j = k % ncols16
        buf[i, pl.ds(j * 16, 16)] = z16
        return 0

    lax.fori_loop(0, nrows * ncols16, body, 0)


T_H = 79
E_PAD_H = NW * T_H * CH


@functools.partial(
    pl.kernel,
    out_type=jax.ShapeDtypeStruct((NC, N_PAD, CH), jnp.float32),
    scratch_types=[
        pltpu.VMEM((T_H, CH), jnp.int32),
        pltpu.VMEM((CH, CH), jnp.float32),
        pltpu.VMEM((64, CH), jnp.float32),
        pltpu.VMEM_SHARED((N_PAD, CH), jnp.float32),
    ],
    **_MESH,
)
def _sc_hist(dst_hbm, out_hbm, dst_v, e1_v, z_v, acc_sh):
    c = lax.axis_index("c")
    s = lax.axis_index("s")
    wid = s * NC + c
    pltpu.sync_copy(dst_hbm.at[wid], dst_v)

    ones16 = jnp.full((16,), 1.0, jnp.float32)

    def fill(k, _):
        e1_v[k // (CH // 16), pl.ds((k % (CH // 16)) * 16, 16)] = ones16
        return 0

    lax.fori_loop(0, CH * (CH // 16), fill, 0)
    _zero_rows(z_v, 64, CH // 16)

    def zinit(k, _):
        pltpu.sync_copy(z_v, acc_sh.at[pl.ds(s * ROWS_PER_SUB + k * 64, 64)])
        return 0

    lax.fori_loop(0, ROWS_PER_SUB // 64, zinit, 0)
    plsc.subcore_barrier()

    def body(j, _):
        pltpu.sync_copy(e1_v, acc_sh.at[dst_v.at[j]], add=True)
        return 0

    lax.fori_loop(0, T_H, body, 0)
    plsc.subcore_barrier()
    pltpu.sync_copy(
        acc_sh.at[pl.ds(s * ROWS_PER_SUB, ROWS_PER_SUB)],
        out_hbm.at[c, pl.ds(s * ROWS_PER_SUB, ROWS_PER_SUB)],
    )


@functools.partial(
    pl.kernel,
    out_type=jax.ShapeDtypeStruct((NC, N_PAD, HIDDEN), jnp.float32),
    scratch_types=[
        pltpu.VMEM((T, CH), jnp.int32),
        pltpu.VMEM((T, CH), jnp.int32),
        pltpu.VMEM((CH, HIDDEN), jnp.float32),
        pltpu.VMEM((64, HIDDEN), jnp.float32),
        pltpu.VMEM_SHARED((N_PAD, HIDDEN), jnp.float32),
        pltpu.SemaphoreType.DMA,
    ],
    **_MESH,
)
def _sc_hop(tab_hbm, src_hbm, dst_hbm, out_hbm, src_v, dst_v, gbuf, z_v,
            acc_sh, sem):
    c = lax.axis_index("c")
    s = lax.axis_index("s")
    wid = s * NC + c
    pltpu.sync_copy(src_hbm.at[wid], src_v)
    pltpu.sync_copy(dst_hbm.at[wid], dst_v)

    _zero_rows(z_v, 64, HIDDEN // 16)

    def zinit(k, _):
        pltpu.sync_copy(z_v, acc_sh.at[pl.ds(s * ROWS_PER_SUB + k * 64, 64)])
        return 0

    lax.fori_loop(0, ROWS_PER_SUB // 64, zinit, 0)
    plsc.subcore_barrier()

    def body(j, _):
        pltpu.async_copy(tab_hbm.at[src_v.at[j]], gbuf, sem).wait()
        pltpu.sync_copy(gbuf, acc_sh.at[dst_v.at[j]], add=True)
        return 0

    lax.fori_loop(0, T, body, 0)
    plsc.subcore_barrier()
    pltpu.sync_copy(
        acc_sh.at[pl.ds(s * ROWS_PER_SUB, ROWS_PER_SUB)],
        out_hbm.at[c, pl.ds(s * ROWS_PER_SUB, ROWS_PER_SUB)],
    )


_BLK = 1024


def _deg(hist_blk):
    return 1.0 + hist_blk[0] + hist_blk[1]


def _prep_body(x_ref, w1_ref, deg_ref, z_ref):
    dinv = lax.rsqrt(_deg(deg_ref[...]))
    y = lax.dot_general(
        x_ref[...], w1_ref[...], (((1,), (0,)), ((), ())),
        precision=lax.Precision.HIGHEST, preferred_element_type=jnp.float32)
    z_ref[...] = y * dinv


_prep = pl.pallas_call(
    _prep_body,
    grid=(N_PAD // _BLK,),
    in_specs=[
        pl.BlockSpec((_BLK, D_FEAT), lambda i: (i, 0)),
        pl.BlockSpec((D_FEAT, HIDDEN), lambda i: (0, 0)),
        pl.BlockSpec((NC, _BLK, HIDDEN), lambda i: (0, i, 0)),
    ],
    out_specs=pl.BlockSpec((_BLK, HIDDEN), lambda i: (i, 0)),
    out_shape=jax.ShapeDtypeStruct((N_PAD, HIDDEN), jnp.float32),
)


def _mid_body(s_ref, z_ref, deg_ref, out_ref):
    out_ref[...] = (s_ref[0] + s_ref[1] + z_ref[...]) / _deg(deg_ref[...])


_mid = pl.pallas_call(
    _mid_body,
    grid=(N_PAD // _BLK,),
    in_specs=[
        pl.BlockSpec((NC, _BLK, HIDDEN), lambda i: (0, i, 0)),
        pl.BlockSpec((_BLK, HIDDEN), lambda i: (i, 0)),
        pl.BlockSpec((NC, _BLK, HIDDEN), lambda i: (0, i, 0)),
    ],
    out_specs=pl.BlockSpec((_BLK, HIDDEN), lambda i: (i, 0)),
    out_shape=jax.ShapeDtypeStruct((N_PAD, HIDDEN), jnp.float32),
)


def _final_body(s_ref, z2_ref, deg_ref, b1_ref, w2_ref, b2_ref, logp_ref, hid_ref):
    dinv = lax.rsqrt(_deg(deg_ref[...]))
    h2 = (s_ref[0] + s_ref[1] + z2_ref[...]) * dinv
    hidden = h2 + b1_ref[...]
    hid_ref[...] = hidden
    logits = lax.dot_general(
        hidden, w2_ref[...], (((1,), (0,)), ((), ())),
        precision=lax.Precision.HIGHEST, preferred_element_type=jnp.float32)
    logits = logits + b2_ref[...]
    m = jnp.max(logits, axis=1, keepdims=True)
    lse = m + jnp.log(jnp.sum(jnp.exp(logits - m), axis=1, keepdims=True))
    logp_ref[...] = logits - lse


_final = pl.pallas_call(
    _final_body,
    grid=(N_PAD // _BLK,),
    in_specs=[
        pl.BlockSpec((NC, _BLK, HIDDEN), lambda i: (0, i, 0)),
        pl.BlockSpec((_BLK, HIDDEN), lambda i: (i, 0)),
        pl.BlockSpec((NC, _BLK, HIDDEN), lambda i: (0, i, 0)),
        pl.BlockSpec((1, HIDDEN), lambda i: (0, 0)),
        pl.BlockSpec((HIDDEN, N_CLASSES), lambda i: (0, 0)),
        pl.BlockSpec((1, N_CLASSES), lambda i: (0, 0)),
    ],
    out_specs=[
        pl.BlockSpec((_BLK, N_CLASSES), lambda i: (i, 0)),
        pl.BlockSpec((_BLK, HIDDEN), lambda i: (i, 0)),
    ],
    out_shape=[
        jax.ShapeDtypeStruct((N_PAD, N_CLASSES), jnp.float32),
        jax.ShapeDtypeStruct((N_PAD, HIDDEN), jnp.float32),
    ],
)


def kernel(x, edge_index, W1, b1, W2, b2):
    x_pad = jnp.pad(x, ((0, N_PAD - N_NODES), (0, 0)))
    ei = edge_index.astype(jnp.int32)

    eih = jnp.pad(ei, ((0, 0), (0, E_PAD_H - N_EDGES)), constant_values=N_PAD - 1)
    dst_h = eih[1].reshape(NW, T_H, CH)

    eip = jnp.pad(ei, ((0, 0), (0, E_PAD - N_EDGES)), constant_values=N_PAD - 1)
    src = eip[0].reshape(NW, T, CH)
    dst = eip[1].reshape(NW, T, CH)

    hist = _sc_hist(dst_h)
    z = _prep(x_pad, W1, hist)
    s1 = _sc_hop(z, src, dst)
    z2 = _mid(s1, z, hist)
    s2 = _sc_hop(z2, src, dst)
    logp, hidden = _final(s2, z2, hist, b1.reshape(1, -1), W2, b2.reshape(1, -1))
    return (logp[:N_NODES], hidden[:N_NODES])

# --- scband reference (transcript-rebuilt; emitter-appended) ---
"""Pipeline reference for scband-sgcnet-13262859010220 (READ-ONLY COPY).

The authoritative reference and input builder live on the scoring server;
editing this copy changes nothing except your own understanding.
"""

import jax, jax.numpy as jnp
import numpy as np

N_NODES = 10000
N_EDGES = 320000
D_FEAT = 128
HIDDEN = 128
N_CLASSES = 64
K = 2


def setup_inputs(seed: int = 0) -> dict:
    key = jax.random.key(seed)
    k1, k2, k3, k4 = jax.random.split(key, 4)
    x = jax.random.normal(k1, (N_NODES, D_FEAT), dtype=jnp.float32)
    edge_index = jax.random.randint(k2, (2, N_EDGES), 0, N_NODES, dtype=jnp.int64)
    # SGConv's internal Linear(num_features, hidden_dim) params
    W1 = jax.random.normal(k3, (D_FEAT, HIDDEN), dtype=jnp.float32) * (1.0 / np.sqrt(D_FEAT))
    b1 = jnp.zeros((HIDDEN,), dtype=jnp.float32)
    # self.linear = nn.Linear(hidden_dim, num_classes)
    W2 = jax.random.normal(k4, (HIDDEN, N_CLASSES), dtype=jnp.float32) * (1.0 / np.sqrt(HIDDEN))
    b2 = jnp.zeros((N_CLASSES,), dtype=jnp.float32)
    return {"x": x, "edge_index": edge_index, "W1": W1, "b1": b1, "W2": W2, "b2": b2}


def _sgc_propagate(x, edge_index, num_nodes, k):
    # gcn_norm with add_self_loops=True (PyG SGConv default)
    src = edge_index[0]
    dst = edge_index[1]
    loop = jnp.arange(num_nodes, dtype=src.dtype)
    src = jnp.concatenate([src, loop])
    dst = jnp.concatenate([dst, loop])
    ew = jnp.ones(src.shape[0], dtype=x.dtype)
    deg = jax.ops.segment_sum(ew, dst, num_segments=num_nodes)
    dinv = jnp.where(deg > 0, jax.lax.rsqrt(deg), 0.0)
    norm = dinv[src] * ew * dinv[dst]
    h = x
    for _ in range(k):
        msg = norm[:, None] * jnp.take(h, src, axis=0)
        h = jax.ops.segment_sum(msg, dst, num_segments=num_nodes)
    return h


def reference(x, edge_index, W1, b1, W2, b2):
    n = x.shape[0]
    h = _sgc_propagate(x, edge_index, n, K)
    hidden = h @ W1 + b1
    logits = hidden @ W2 + b2
    logp = jax.nn.log_softmax(logits, axis=1)
    return (logp, hidden)

if __name__ == "__main__":
    import jax
    _d = setup_inputs()
    print(jax.jit(kernel)(*tuple(_d.values())))

</pallas_src>

<mosaic_0001>
#map = affine_map<(d0, d1) -> (0, 0)>
#map1 = affine_map<(d0, d1) -> (0, 0, 0)>
module attributes {stable_mosaic.version = 14 : i64} {
  func.func @_sc_hop(%arg0: i32, %arg1: i32, %arg2: memref<10240x128xf32, #tpu.memory_space<hbm>>, %arg3: memref<32x79x128xi32, #tpu.memory_space<hbm>>, %arg4: memref<32x79x128xi32, #tpu.memory_space<hbm>>, %arg5: memref<2x10240x128xf32, #tpu.memory_space<hbm>>, %arg6: memref<79x128xi32, #tpu.memory_space<vmem>>, %arg7: memref<79x128xi32, #tpu.memory_space<vmem>>, %arg8: memref<128x128xf32, #tpu.memory_space<vmem>>, %arg9: memref<64x128xf32, #tpu.memory_space<vmem>>, %arg10: memref<10240x128xf32, #tpu.memory_space<vmem_shared>>, %arg11: memref<!tpu.dma_semaphore, #tpu.memory_space<semaphore_mem>>) attributes {dimension_semantics = [#tpu.dimension_semantics<core_parallel>, #tpu.dimension_semantics<subcore_parallel>], iteration_bounds = array<i64: 2, 16>, scalar_prefetch = 0 : i64, scratch_operands = 6 : i64, tpu.core_type = #tpu.core_type<sc_vector_subcore>, window_params = [{transform_indices = #map}, {transform_indices = #map1}, {transform_indices = #map1}, {transform_indices = #map1}]} {
    %mul3A = arith.constant 2 : i32
    %mul3A_0 = arith.muli %arg1, %mul3A : i32
    %add3A = arith.addi %mul3A_0, %arg0 : i32
    "tpu.region"() ({
      %run_scoped3A = tpu.sem_alloc : memref<!tpu.dma_semaphore, #tpu.memory_space<semaphore_mem>>
      %dma_start3A = arith.constant 0 : i32
      %dma_start3A_27 = arith.constant 0 : i32
      %dma_start3A_28 = tpu.memref_slice %arg3[%add3A, %dma_start3A, %dma_start3A_27] : memref<32x79x128xi32, #tpu.memory_space<hbm>> -> memref<1x79x128xi32, #tpu.memory_space<hbm>>
      %dma_start3A_29 = tpu.memref_squeeze %dma_start3A_28 : memref<1x79x128xi32, #tpu.memory_space<hbm>> -> memref<79x128xi32, #tpu.memory_space<hbm>>
      %dma_start3A_30 = arith.constant 0 : i32
      %dma_start3A_31 = arith.constant 0 : i32
      %dma_start3A_32 = tpu.memref_slice %arg3[%add3A, %dma_start3A_30, %dma_start3A_31] : memref<32x79x128xi32, #tpu.memory_space<hbm>> -> memref<1x79x128xi32, #tpu.memory_space<hbm>>
      %dma_start3A_33 = tpu.memref_squeeze %dma_start3A_32 : memref<1x79x128xi32, #tpu.memory_space<hbm>> -> memref<79x128xi32, #tpu.memory_space<hbm>>
      tpu.enqueue_dma source(%dma_start3A_33 : memref<79x128xi32, #tpu.memory_space<hbm>>) target(%arg6 : memref<79x128xi32, #tpu.memory_space<vmem>>) target_semaphore(%run_scoped3A : memref<!tpu.dma_semaphore, #tpu.memory_space<semaphore_mem>>)
      %dma_wait3A = arith.constant 0 : i32
      %dma_wait3A_34 = arith.constant 0 : i32
      %dma_wait3A_35 = tpu.memref_slice %arg3[%add3A, %dma_wait3A, %dma_wait3A_34] : memref<32x79x128xi32, #tpu.memory_space<hbm>> -> memref<1x79x128xi32, #tpu.memory_space<hbm>>
      %dma_wait3A_36 = tpu.memref_squeeze %dma_wait3A_35 : memref<1x79x128xi32, #tpu.memory_space<hbm>> -> memref<79x128xi32, #tpu.memory_space<hbm>>
      %dma_wait3A_37 = arith.constant 0 : i32
      %dma_wait3A_38 = arith.constant 0 : i32
      %dma_wait3A_39 = tpu.memref_slice %arg3[%add3A, %dma_wait3A_37, %dma_wait3A_38] : memref<32x79x128xi32, #tpu.memory_space<hbm>> -> memref<1x79x128xi32, #tpu.memory_space<hbm>>
      %dma_wait3A_40 = tpu.memref_squeeze %dma_wait3A_39 : memref<1x79x128xi32, #tpu.memory_space<hbm>> -> memref<79x128xi32, #tpu.memory_space<hbm>>
      tpu.wait_dma2 semaphore(%run_scoped3A : memref<!tpu.dma_semaphore, #tpu.memory_space<semaphore_mem>>) src(%dma_wait3A_40 : memref<79x128xi32, #tpu.memory_space<hbm>>) dst(%arg6 : memref<79x128xi32, #tpu.memory_space<vmem>>)
      tpu.yield
    }) : () -> ()
    "tpu.region"() ({
      %run_scoped3A = tpu.sem_alloc : memref<!tpu.dma_semaphore, #tpu.memory_space<semaphore_mem>>
      %dma_start3A = arith.constant 0 : i32
      %dma_start3A_27 = arith.constant 0 : i32
      %dma_start3A_28 = tpu.memref_slice %arg4[%add3A, %dma_start3A, %dma_start3A_27] : memref<32x79x128xi32, #tpu.memory_space<hbm>> -> memref<1x79x128xi32, #tpu.memory_space<hbm>>
      %dma_start3A_29 = tpu.memref_squeeze %dma_start3A_28 : memref<1x79x128xi32, #tpu.memory_space<hbm>> -> memref<79x128xi32, #tpu.memory_space<hbm>>
      %dma_start3A_30 = arith.constant 0 : i32
      %dma_start3A_31 = arith.constant 0 : i32
      %dma_start3A_32 = tpu.memref_slice %arg4[%add3A, %dma_start3A_30, %dma_start3A_31] : memref<32x79x128xi32, #tpu.memory_space<hbm>> -> memref<1x79x128xi32, #tpu.memory_space<hbm>>
      %dma_start3A_33 = tpu.memref_squeeze %dma_start3A_32 : memref<1x79x128xi32, #tpu.memory_space<hbm>> -> memref<79x128xi32, #tpu.memory_space<hbm>>
      tpu.enqueue_dma source(%dma_start3A_33 : memref<79x128xi32, #tpu.memory_space<hbm>>) target(%arg7 : memref<79x128xi32, #tpu.memory_space<vmem>>) target_semaphore(%run_scoped3A : memref<!tpu.dma_semaphore, #tpu.memory_space<semaphore_mem>>)
      %dma_wait3A = arith.constant 0 : i32
      %dma_wait3A_34 = arith.constant 0 : i32
      %dma_wait3A_35 = tpu.memref_slice %arg4[%add3A, %dma_wait3A, %dma_wait3A_34] : memref<32x79x128xi32, #tpu.memory_space<hbm>> -> memref<1x79x128xi32, #tpu.memory_space<hbm>>
      %dma_wait3A_36 = tpu.memref_squeeze %dma_wait3A_35 : memref<1x79x128xi32, #tpu.memory_space<hbm>> -> memref<79x128xi32, #tpu.memory_space<hbm>>
      %dma_wait3A_37 = arith.constant 0 : i32
      %dma_wait3A_38 = arith.constant 0 : i32
      %dma_wait3A_39 = tpu.memref_slice %arg4[%add3A, %dma_wait3A_37, %dma_wait3A_38] : memref<32x79x128xi32, #tpu.memory_space<hbm>> -> memref<1x79x128xi32, #tpu.memory_space<hbm>>
      %dma_wait3A_40 = tpu.memref_squeeze %dma_wait3A_39 : memref<1x79x128xi32, #tpu.memory_space<hbm>> -> memref<79x128xi32, #tpu.memory_space<hbm>>
      tpu.wait_dma2 semaphore(%run_scoped3A : memref<!tpu.dma_semaphore, #tpu.memory_space<semaphore_mem>>) src(%dma_wait3A_40 : memref<79x128xi32, #tpu.memory_space<hbm>>) dst(%arg7 : memref<79x128xi32, #tpu.memory_space<vmem>>)
      tpu.yield
    }) : () -> ()
    %broadcast_in_dim3A = arith.constant 0.000000e+00 : f32
    %broadcast_in_dim3A_1 = vector.broadcast %broadcast_in_dim3A : f32 to vector<16xf32>
    %scan3A = arith.constant 0 : i32
    %scan3A_2 = arith.constant 0 : i32
    %scan3A_3 = arith.constant 512 : i32
    %scan3A_4 = arith.addi %scan3A_2, %scan3A_3 : i32
    %scan3A_5 = arith.constant 1 : i32
    %scan3A_6 = scf.for %scan3A_27 = %scan3A_2 to %scan3A_4 step %scan3A_5 iter_args(%scan3A_28 = %scan3A) -> (i32)  : i32 {
      %jit3A = arith.constant 8 : i32
      %div3A = arith.divsi %scan3A_27, %jit3A : i32
      %sign3A = arith.constant 0 : i32
      %sign3A_29 = arith.cmpi sgt, %scan3A_27, %sign3A : i32
      %sign3A_30 = arith.extui %sign3A_29 : i1 to i32
      %sign3A_31 = arith.constant 0 : i32
      %sign3A_32 = arith.cmpi slt, %scan3A_27, %sign3A_31 : i32
      %sign3A_33 = arith.extui %sign3A_32 : i1 to i32
      %sign3A_34 = arith.subi %sign3A_30, %sign3A_33 : i32
      %sign3A_35 = arith.constant 0 : i32
      %sign3A_36 = arith.cmpi sgt, %jit3A, %sign3A_35 : i32
      %sign3A_37 = arith.extui %sign3A_36 : i1 to i32
      %sign3A_38 = arith.constant 0 : i32
      %sign3A_39 = arith.cmpi slt, %jit3A, %sign3A_38 : i32
      %sign3A_40 = arith.extui %sign3A_39 : i1 to i32
      %sign3A_41 = arith.subi %sign3A_37, %sign3A_40 : i32
      %ne3A = arith.cmpi ne, %sign3A_34, %sign3A_41 : i32
      %rem3A = arith.remsi %scan3A_27, %jit3A : i32
      %ne3A_42 = arith.constant 0 : i32
      %ne3A_43 = arith.cmpi ne, %rem3A, %ne3A_42 : i32
      %and3A = arith.andi %ne3A, %ne3A_43 : i1
      %sub3A = arith.constant 1 : i32
      %sub3A_44 = arith.subi %div3A, %sub3A : i32
      %select_n3A = arith.select %and3A, %sub3A_44, %div3A : i32
      %jit3A_45 = arith.constant 8 : i32
      %eq3A = arith.constant 0 : i32
      %eq3A_46 = arith.cmpi eq, %jit3A_45, %eq3A : i32
      %jit3A_47 = arith.constant 1 : i32
      %select_n3A_48 = arith.select %eq3A_46, %jit3A_47, %jit3A_45 : i32
      %rem3A_49 = arith.remsi %scan3A_27, %select_n3A_48 : i32
      %ne3A_50 = arith.constant 0 : i32
      %ne3A_51 = arith.cmpi ne, %rem3A_49, %ne3A_50 : i32
      %lt3A = arith.constant 0 : i32
      %lt3A_52 = arith.cmpi slt, %rem3A_49, %lt3A : i32
      %lt3A_53 = arith.constant 0 : i32
      %lt3A_54 = arith.cmpi slt, %select_n3A_48, %lt3A_53 : i32
      %ne3A_55 = arith.xori %lt3A_52, %lt3A_54 : i1
      %and3A_56 = arith.andi %ne3A_55, %ne3A_51 : i1
      %add3A_57 = arith.addi %rem3A_49, %select_n3A_48 : i32
      %select_n3A_58 = arith.select %and3A_56, %add3A_57, %rem3A_49 : i32
      %mul3A_59 = arith.constant 16 : i32
      %mul3A_60 = arith.muli %select_n3A_58, %mul3A_59 : i32
      %swap3A = arith.index_cast %select_n3A : i32 to index
      %swap3A_61 = arith.index_cast %mul3A_60 : i32 to index
      %swap3A_62 = tpu.vector_load %arg9[%swap3A, %swap3A_61] {strides = array<i32>} : memref<64x128xf32, #tpu.memory_space<vmem>>, vector<1x16xf32>,
      %swap3A_63 = vector.shape_cast %swap3A_62 : vector<1x16xf32> to vector<16xf32>
      %swap3A_64 = vector.shape_cast %broadcast_in_dim3A_1 : vector<16xf32> to vector<1x16xf32>
      tpu.vector_store %arg9[%swap3A, %swap3A_61], %swap3A_64 {strides = array<i32>} : memref<64x128xf32, #tpu.memory_space<vmem>>, vector<1x16xf32>,
      %scan3A_65 = arith.constant 0 : i32
      scf.yield %scan3A_65 : i32
    }
    %scan3A_7 = arith.constant 512 : i32
    %scan3A_8 = arith.constant 0 : i32
    %scan3A_9 = arith.constant 0 : i32
    %scan3A_10 = arith.constant 10 : i32
    %scan3A_11 = arith.addi %scan3A_9, %scan3A_10 : i32
    %scan3A_12 = arith.constant 1 : i32
    %scan3A_13 = scf.for %scan3A_27 = %scan3A_9 to %scan3A_11 step %scan3A_12 iter_args(%scan3A_28 = %scan3A_8) -> (i32)  : i32 {
      %mul3A_29 = arith.constant 640 : i32
      %mul3A_30 = arith.muli %arg1, %mul3A_29 : i32
      %mul3A_31 = arith.constant 64 : i32
      %mul3A_32 = arith.muli %scan3A_27, %mul3A_31 : i32
      %add3A_33 = arith.addi %mul3A_30, %mul3A_32 : i32
      "tpu.region"() ({
        %run_scoped3A = tpu.sem_alloc : memref<!tpu.dma_semaphore, #tpu.memory_space<semaphore_mem>>
        %dma_start3A = arith.constant 0 : i32
        %dma_start3A_35 = tpu.memref_slice %arg10[%add3A_33, %dma_start3A] : memref<10240x128xf32, #tpu.memory_space<vmem_shared>> -> memref<64x128xf32, #tpu.memory_space<vmem_shared>>
        %dma_start3A_36 = arith.constant 0 : i32
        %dma_start3A_37 = tpu.memref_slice %arg10[%add3A_33, %dma_start3A_36] : memref<10240x128xf32, #tpu.memory_space<vmem_shared>> -> memref<64x128xf32, #tpu.memory_space<vmem_shared>>
        tpu.enqueue_dma source(%arg9 : memref<64x128xf32, #tpu.memory_space<vmem>>) target(%dma_start3A_37 : memref<64x128xf32, #tpu.memory_space<vmem_shared>>) target_semaphore(%run_scoped3A : memref<!tpu.dma_semaphore, #tpu.memory_space<semaphore_mem>>)
        %dma_wait3A = arith.constant 0 : i32
        %dma_wait3A_38 = tpu.memref_slice %arg10[%add3A_33, %dma_wait3A] : memref<10240x128xf32, #tpu.memory_space<vmem_shared>> -> memref<64x128xf32, #tpu.memory_space<vmem_shared>>
        %dma_wait3A_39 = arith.constant 0 : i32
        %dma_wait3A_40 = tpu.memref_slice %arg10[%add3A_33, %dma_wait3A_39] : memref<10240x128xf32, #tpu.memory_space<vmem_shared>> -> memref<64x128xf32, #tpu.memory_space<vmem_shared>>
        tpu.wait_dma2 semaphore(%run_scoped3A : memref<!tpu.dma_semaphore, #tpu.memory_space<semaphore_mem>>) src(%arg9 : memref<64x128xf32, #tpu.memory_space<vmem>>) dst(%dma_wait3A_40 : memref<64x128xf32, #tpu.memory_space<vmem_shared>>)
        tpu.yield
      }) : () -> ()
      %scan3A_34 = arith.constant 0 : i32
      scf.yield %scan3A_34 : i32
    }
    %scan3A_14 = arith.constant 10 : i32
    %barrier3A = arith.constant 0 : index
    tpu.barrier barrier_id(%barrier3A)
    %scan3A_15 = arith.constant 0 : i32
    %scan3A_16 = arith.constant 0 : i32
    %scan3A_17 = arith.constant 79 : i32
    %scan3A_18 = arith.addi %scan3A_16, %scan3A_17 : i32
    %scan3A_19 = arith.constant 1 : i32
    %scan3A_20 = scf.for %scan3A_27 = %scan3A_16 to %scan3A_18 step %scan3A_19 iter_args(%scan3A_28 = %scan3A_15) -> (i32)  : i32 {
      %dma_start3A = arith.constant 0 : i32
      %dma_start3A_29 = tpu.memref_slice %arg6[%scan3A_27, %dma_start3A] : memref<79x128xi32, #tpu.memory_space<vmem>> -> memref<1x128xi32, #tpu.memory_space<vmem>>
      %dma_start3A_30 = tpu.memref_squeeze %dma_start3A_29 : memref<1x128xi32, #tpu.memory_space<vmem>> -> memref<128xi32, #tpu.memory_space<vmem>>
      %dma_start3A_31 = arith.constant 0 : i32
      %dma_start3A_32 = arith.constant 0 : i32
      %dma_start3A_33 = tpu.memref_slice %arg2[%dma_start3A_31, %dma_start3A_32] : memref<10240x128xf32, #tpu.memory_space<hbm>> -> memref<10240x128xf32, #tpu.memory_space<hbm>>
      tpu.enqueue_indirect_dma source(%dma_start3A_33 : memref<10240x128xf32, #tpu.memory_space<hbm>>) target(%arg8 : memref<128x128xf32, #tpu.memory_space<vmem>>) offsets(%dma_start3A_30 : memref<128xi32, #tpu.memory_space<vmem>>) semaphore(%arg11 : memref<!tpu.dma_semaphore, #tpu.memory_space<semaphore_mem>>)
      %dma_wait3A = arith.constant 0 : i32
      %dma_wait3A_34 = tpu.memref_slice %arg6[%scan3A_27, %dma_wait3A] : memref<79x128xi32, #tpu.memory_space<vmem>> -> memref<1x128xi32, #tpu.memory_space<vmem>>
      %dma_wait3A_35 = tpu.memref_squeeze %dma_wait3A_34 : memref<1x128xi32, #tpu.memory_space<vmem>> -> memref<128xi32, #tpu.memory_space<vmem>>
      %dma_wait3A_36 = arith.constant 0 : i32
      %dma_wait3A_37 = arith.constant 0 : i32
      %dma_wait3A_38 = tpu.memref_slice %arg2[%dma_wait3A_36, %dma_wait3A_37] : memref<10240x128xf32, #tpu.memory_space<hbm>> -> memref<10240x128xf32, #tpu.memory_space<hbm>>
      tpu.wait_indirect_dma semaphore(%arg11 : memref<!tpu.dma_semaphore, #tpu.memory_space<semaphore_mem>>) src(%dma_wait3A_38 : memref<10240x128xf32, #tpu.memory_space<hbm>>) dst(%arg8 : memref<128x128xf32, #tpu.memory_space<vmem>>)
      "tpu.region"() ({
        %run_scoped3A = tpu.sem_alloc : memref<!tpu.dma_semaphore, #tpu.memory_space<semaphore_mem>>
        %dma_start3A_40 = arith.constant 0 : i32
        %dma_start3A_41 = tpu.memref_slice %arg7[%scan3A_27, %dma_start3A_40] : memref<79x128xi32, #tpu.memory_space<vmem>> -> memref<1x128xi32, #tpu.memory_space<vmem>>
        %dma_start3A_42 = tpu.memref_squeeze %dma_start3A_41 : memref<1x128xi32, #tpu.memory_space<vmem>> -> memref<128xi32, #tpu.memory_space<vmem>>
        %dma_start3A_43 = arith.constant 0 : i32
        %dma_start3A_44 = arith.constant 0 : i32
        %dma_start3A_45 = tpu.memref_slice %arg10[%dma_start3A_43, %dma_start3A_44] : memref<10240x128xf32, #tpu.memory_space<vmem_shared>> -> memref<10240x128xf32, #tpu.memory_space<vmem_shared>>
        tpu.enqueue_indirect_dma source(%arg8 : memref<128x128xf32, #tpu.memory_space<vmem>>) target(%dma_start3A_45 : memref<10240x128xf32, #tpu.memory_space<vmem_shared>>) offsets(%dma_start3A_42 : memref<128xi32, #tpu.memory_space<vmem>>) semaphore(%run_scoped3A : memref<!tpu.dma_semaphore, #tpu.memory_space<semaphore_mem>>) {add = true}
        %dma_wait3A_46 = arith.constant 0 : i32
        %dma_wait3A_47 = tpu.memref_slice %arg7[%scan3A_27, %dma_wait3A_46] : memref<79x128xi32, #tpu.memory_space<vmem>> -> memref<1x128xi32, #tpu.memory_space<vmem>>
        %dma_wait3A_48 = tpu.memref_squeeze %dma_wait3A_47 : memref<1x128xi32, #tpu.memory_space<vmem>> -> memref<128xi32, #tpu.memory_space<vmem>>
        %dma_wait3A_49 = arith.constant 0 : i32
        %dma_wait3A_50 = arith.constant 0 : i32
        %dma_wait3A_51 = tpu.memref_slice %arg10[%dma_wait3A_49, %dma_wait3A_50] : memref<10240x128xf32, #tpu.memory_space<vmem_shared>> -> memref<10240x128xf32, #tpu.memory_space<vmem_shared>>
        tpu.wait_indirect_dma semaphore(%run_scoped3A : memref<!tpu.dma_semaphore, #tpu.memory_space<semaphore_mem>>) src(%arg8 : memref<128x128xf32, #tpu.memory_space<vmem>>) dst(%dma_wait3A_51 : memref<10240x128xf32, #tpu.memory_space<vmem_shared>>)
        tpu.yield
      }) : () -> ()
      %scan3A_39 = arith.constant 0 : i32
      scf.yield %scan3A_39 : i32
    }
    %scan3A_21 = arith.constant 79 : i32
    %barrier3A_22 = arith.constant 0 : index
    tpu.barrier barrier_id(%barrier3A_22)
    %mul3A_23 = arith.constant 640 : i32
    %mul3A_24 = arith.muli %arg1, %mul3A_23 : i32
    %mul3A_25 = arith.constant 640 : i32
    %mul3A_26 = arith.muli %arg1, %mul3A_25 : i32
    "tpu.region"() ({
      %run_scoped3A = tpu.sem_alloc : memref<!tpu.dma_semaphore, #tpu.memory_space<semaphore_mem>>
      %dma_start3A = arith.constant 0 : i32
      %dma_start3A_27 = tpu.memref_slice %arg5[%arg0, %mul3A_26, %dma_start3A] : memref<2x10240x128xf32, #tpu.memory_space<hbm>> -> memref<1x640x128xf32, #tpu.memory_space<hbm>>
      %dma_start3A_28 = tpu.memref_squeeze %dma_start3A_27 : memref<1x640x128xf32, #tpu.memory_space<hbm>> -> memref<640x128xf32, #tpu.memory_space<hbm>>
      %dma_start3A_29 = arith.constant 0 : i32
      %dma_start3A_30 = tpu.memref_slice %arg10[%mul3A_24, %dma_start3A_29] : memref<10240x128xf32, #tpu.memory_space<vmem_shared>> -> memref<640x128xf32, #tpu.memory_space<vmem_shared>>
      tpu.enqueue_dma source(%dma_start3A_30 : memref<640x128xf32, #tpu.memory_space<vmem_shared>>) target(%dma_start3A_28 : memref<640x128xf32, #tpu.memory_space<hbm>>) target_semaphore(%run_scoped3A : memref<!tpu.dma_semaphore, #tpu.memory_space<semaphore_mem>>)
      %dma_wait3A = arith.constant 0 : i32
      %dma_wait3A_31 = tpu.memref_slice %arg5[%arg0, %mul3A_26, %dma_wait3A] : memref<2x10240x128xf32, #tpu.memory_space<hbm>> -> memref<1x640x128xf32, #tpu.memory_space<hbm>>
      %dma_wait3A_32 = tpu.memref_squeeze %dma_wait3A_31 : memref<1x640x128xf32, #tpu.memory_space<hbm>> -> memref<640x128xf32, #tpu.memory_space<hbm>>
      %dma_wait3A_33 = arith.constant 0 : i32
      %dma_wait3A_34 = tpu.memref_slice %arg10[%mul3A_24, %dma_wait3A_33] : memref<10240x128xf32, #tpu.memory_space<vmem_shared>> -> memref<640x128xf32, #tpu.memory_space<vmem_shared>>
      tpu.wait_dma2 semaphore(%run_scoped3A : memref<!tpu.dma_semaphore, #tpu.memory_space<semaphore_mem>>) src(%dma_wait3A_34 : memref<640x128xf32, #tpu.memory_space<vmem_shared>>) dst(%dma_wait3A_32 : memref<640x128xf32, #tpu.memory_space<hbm>>)
      tpu.yield
    }) : () -> ()
    return
  }
}

#map = affine_map<(d0, d1) -> (0, 0, 0)>
module attributes {stable_mosaic.version = 14 : i64} {
  func.func @_sc_hist(%arg0: i32, %arg1: i32, %arg2: memref<32x79x128xi32, #tpu.memory_space<hbm>>, %arg3: memref<2x10240x128xf32, #tpu.memory_space<hbm>>, %arg4: memref<79x128xi32, #tpu.memory_space<vmem>>, %arg5: memref<128x128xf32, #tpu.memory_space<vmem>>, %arg6: memref<64x128xf32, #tpu.memory_space<vmem>>, %arg7: memref<10240x128xf32, #tpu.memory_space<vmem_shared>>) attributes {dimension_semantics = [#tpu.dimension_semantics<core_parallel>, #tpu.dimension_semantics<subcore_parallel>], iteration_bounds = array<i64: 2, 16>, scalar_prefetch = 0 : i64, scratch_operands = 4 : i64, tpu.core_type = #tpu.core_type<sc_vector_subcore>, window_params = [{transform_indices = #map}, {transform_indices = #map}]} {
    %mul3A = arith.constant 2 : i32
    %mul3A_0 = arith.muli %arg1, %mul3A : i32
    %add3A = arith.addi %mul3A_0, %arg0 : i32
    "tpu.region"() ({
      %run_scoped3A = tpu.sem_alloc : memref<!tpu.dma_semaphore, #tpu.memory_space<semaphore_mem>>
      %dma_start3A = arith.constant 0 : i32
      %dma_start3A_36 = arith.constant 0 : i32
      %dma_start3A_37 = tpu.memref_slice %arg2[%add3A, %dma_start3A, %dma_start3A_36] : memref<32x79x128xi32, #tpu.memory_space<hbm>> -> memref<1x79x128xi32, #tpu.memory_space<hbm>>
      %dma_start3A_38 = tpu.memref_squeeze %dma_start3A_37 : memref<1x79x128xi32, #tpu.memory_space<hbm>> -> memref<79x128xi32, #tpu.memory_space<hbm>>
      %dma_start3A_39 = arith.constant 0 : i32
      %dma_start3A_40 = arith.constant 0 : i32
      %dma_start3A_41 = tpu.memref_slice %arg2[%add3A, %dma_start3A_39, %dma_start3A_40] : memref<32x79x128xi32, #tpu.memory_space<hbm>> -> memref<1x79x128xi32, #tpu.memory_space<hbm>>
      %dma_start3A_42 = tpu.memref_squeeze %dma_start3A_41 : memref<1x79x128xi32, #tpu.memory_space<hbm>> -> memref<79x128xi32, #tpu.memory_space<hbm>>
      tpu.enqueue_dma source(%dma_start3A_42 : memref<79x128xi32, #tpu.memory_space<hbm>>) target(%arg4 : memref<79x128xi32, #tpu.memory_space<vmem>>) target_semaphore(%run_scoped3A : memref<!tpu.dma_semaphore, #tpu.memory_space<semaphore_mem>>)
      %dma_wait3A = arith.constant 0 : i32
      %dma_wait3A_43 = arith.constant 0 : i32
      %dma_wait3A_44 = tpu.memref_slice %arg2[%add3A, %dma_wait3A, %dma_wait3A_43] : memref<32x79x128xi32, #tpu.memory_space<hbm>> -> memref<1x79x128xi32, #tpu.memory_space<hbm>>
      %dma_wait3A_45 = tpu.memref_squeeze %dma_wait3A_44 : memref<1x79x128xi32, #tpu.memory_space<hbm>> -> memref<79x128xi32, #tpu.memory_space<hbm>>
      %dma_wait3A_46 = arith.constant 0 : i32
      %dma_wait3A_47 = arith.constant 0 : i32
      %dma_wait3A_48 = tpu.memref_slice %arg2[%add3A, %dma_wait3A_46, %dma_wait3A_47] : memref<32x79x128xi32, #tpu.memory_space<hbm>> -> memref<1x79x128xi32, #tpu.memory_space<hbm>>
      %dma_wait3A_49 = tpu.memref_squeeze %dma_wait3A_48 : memref<1x79x128xi32, #tpu.memory_space<hbm>> -> memref<79x128xi32, #tpu.memory_space<hbm>>
      tpu.wait_dma2 semaphore(%run_scoped3A : memref<!tpu.dma_semaphore, #tpu.memory_space<semaphore_mem>>) src(%dma_wait3A_49 : memref<79x128xi32, #tpu.memory_space<hbm>>) dst(%arg4 : memref<79x128xi32, #tpu.memory_space<vmem>>)
      tpu.yield
    }) : () -> ()
    %broadcast_in_dim3A = arith.constant 1.000000e+00 : f32
    %broadcast_in_dim3A_1 = vector.broadcast %broadcast_in_dim3A : f32 to vector<16xf32>
    %scan3A = arith.constant 0 : i32
    %scan3A_2 = arith.constant 0 : i32
    %scan3A_3 = arith.constant 1024 : i32
    %scan3A_4 = arith.addi %scan3A_2, %scan3A_3 : i32
    %scan3A_5 = arith.constant 1 : i32
    %scan3A_6 = scf.for %scan3A_36 = %scan3A_2 to %scan3A_4 step %scan3A_5 iter_args(%scan3A_37 = %scan3A) -> (i32)  : i32 {
      %jit3A = arith.constant 8 : i32
      %div3A = arith.divsi %scan3A_36, %jit3A : i32
      %sign3A = arith.constant 0 : i32
      %sign3A_38 = arith.cmpi sgt, %scan3A_36, %sign3A : i32
      %sign3A_39 = arith.extui %sign3A_38 : i1 to i32
      %sign3A_40 = arith.constant 0 : i32
      %sign3A_41 = arith.cmpi slt, %scan3A_36, %sign3A_40 : i32
      %sign3A_42 = arith.extui %sign3A_41 : i1 to i32
      %sign3A_43 = arith.subi %sign3A_39, %sign3A_42 : i32
      %sign3A_44 = arith.constant 0 : i32
      %sign3A_45 = arith.cmpi sgt, %jit3A, %sign3A_44 : i32
      %sign3A_46 = arith.extui %sign3A_45 : i1 to i32
      %sign3A_47 = arith.constant 0 : i32
      %sign3A_48 = arith.cmpi slt, %jit3A, %sign3A_47 : i32
      %sign3A_49 = arith.extui %sign3A_48 : i1 to i32
      %sign3A_50 = arith.subi %sign3A_46, %sign3A_49 : i32
      %ne3A = arith.cmpi ne, %sign3A_43, %sign3A_50 : i32
      %rem3A = arith.remsi %scan3A_36, %jit3A : i32
      %ne3A_51 = arith.constant 0 : i32
      %ne3A_52 = arith.cmpi ne, %rem3A, %ne3A_51 : i32
      %and3A = arith.andi %ne3A, %ne3A_52 : i1
      %sub3A = arith.constant 1 : i32
      %sub3A_53 = arith.subi %div3A, %sub3A : i32
      %select_n3A = arith.select %and3A, %sub3A_53, %div3A : i32
      %jit3A_54 = arith.constant 8 : i32
      %eq3A = arith.constant 0 : i32
      %eq3A_55 = arith.cmpi eq, %jit3A_54, %eq3A : i32
      %jit3A_56 = arith.constant 1 : i32
      %select_n3A_57 = arith.select %eq3A_55, %jit3A_56, %jit3A_54 : i32
      %rem3A_58 = arith.remsi %scan3A_36, %select_n3A_57 : i32
      %ne3A_59 = arith.constant 0 : i32
      %ne3A_60 = arith.cmpi ne, %rem3A_58, %ne3A_59 : i32
      %lt3A = arith.constant 0 : i32
      %lt3A_61 = arith.cmpi slt, %rem3A_58, %lt3A : i32
      %lt3A_62 = arith.constant 0 : i32
      %lt3A_63 = arith.cmpi slt, %select_n3A_57, %lt3A_62 : i32
      %ne3A_64 = arith.xori %lt3A_61, %lt3A_63 : i1
      %and3A_65 = arith.andi %ne3A_64, %ne3A_60 : i1
      %add3A_66 = arith.addi %rem3A_58, %select_n3A_57 : i32
      %select_n3A_67 = arith.select %and3A_65, %add3A_66, %rem3A_58 : i32
      %mul3A_68 = arith.constant 16 : i32
      %mul3A_69 = arith.muli %select_n3A_67, %mul3A_68 : i32
      %swap3A = arith.index_cast %select_n3A : i32 to index
      %swap3A_70 = arith.index_cast %mul3A_69 : i32 to index
      %swap3A_71 = tpu.vector_load %arg5[%swap3A, %swap3A_70] {strides = array<i32>} : memref<128x128xf32, #tpu.memory_space<vmem>>, vector<1x16xf32>,
      %swap3A_72 = vector.shape_cast %swap3A_71 : vector<1x16xf32> to vector<16xf32>
      %swap3A_73 = vector.shape_cast %broadcast_in_dim3A_1 : vector<16xf32> to vector<1x16xf32>
      tpu.vector_store %arg5[%swap3A, %swap3A_70], %swap3A_73 {strides = array<i32>} : memref<128x128xf32, #tpu.memory_space<vmem>>, vector<1x16xf32>,
      %scan3A_74 = arith.constant 0 : i32
      scf.yield %scan3A_74 : i32
    }
    %scan3A_7 = arith.constant 1024 : i32
    %broadcast_in_dim3A_8 = arith.constant 0.000000e+00 : f32
    %broadcast_in_dim3A_9 = vector.broadcast %broadcast_in_dim3A_8 : f32 to vector<16xf32>
    %scan3A_10 = arith.constant 0 : i32
    %scan3A_11 = arith.constant 0 : i32
    %scan3A_12 = arith.constant 512 : i32
    %scan3A_13 = arith.addi %scan3A_11, %scan3A_12 : i32
    %scan3A_14 = arith.constant 1 : i32
    %scan3A_15 = scf.for %scan3A_36 = %scan3A_11 to %scan3A_13 step %scan3A_14 iter_args(%scan3A_37 = %scan3A_10) -> (i32)  : i32 {
      %jit3A = arith.constant 8 : i32
      %div3A = arith.divsi %scan3A_36, %jit3A : i32
      %sign3A = arith.constant 0 : i32
      %sign3A_38 = arith.cmpi sgt, %scan3A_36, %sign3A : i32
      %sign3A_39 = arith.extui %sign3A_38 : i1 to i32
      %sign3A_40 = arith.constant 0 : i32
      %sign3A_41 = arith.cmpi slt, %scan3A_36, %sign3A_40 : i32
      %sign3A_42 = arith.extui %sign3A_41 : i1 to i32
      %sign3A_43 = arith.subi %sign3A_39, %sign3A_42 : i32
      %sign3A_44 = arith.constant 0 : i32
      %sign3A_45 = arith.cmpi sgt, %jit3A, %sign3A_44 : i32
      %sign3A_46 = arith.extui %sign3A_45 : i1 to i32
      %sign3A_47 = arith.constant 0 : i32
      %sign3A_48 = arith.cmpi slt, %jit3A, %sign3A_47 : i32
      %sign3A_49 = arith.extui %sign3A_48 : i1 to i32
      %sign3A_50 = arith.subi %sign3A_46, %sign3A_49 : i32
      %ne3A = arith.cmpi ne, %sign3A_43, %sign3A_50 : i32
      %rem3A = arith.remsi %scan3A_36, %jit3A : i32
      %ne3A_51 = arith.constant 0 : i32
      %ne3A_52 = arith.cmpi ne, %rem3A, %ne3A_51 : i32
      %and3A = arith.andi %ne3A, %ne3A_52 : i1
      %sub3A = arith.constant 1 : i32
      %sub3A_53 = arith.subi %div3A, %sub3A : i32
      %select_n3A = arith.select %and3A, %sub3A_53, %div3A : i32
      %jit3A_54 = arith.constant 8 : i32
      %eq3A = arith.constant 0 : i32
      %eq3A_55 = arith.cmpi eq, %jit3A_54, %eq3A : i32
      %jit3A_56 = arith.constant 1 : i32
      %select_n3A_57 = arith.select %eq3A_55, %jit3A_56, %jit3A_54 : i32
      %rem3A_58 = arith.remsi %scan3A_36, %select_n3A_57 : i32
      %ne3A_59 = arith.constant 0 : i32
      %ne3A_60 = arith.cmpi ne, %rem3A_58, %ne3A_59 : i32
      %lt3A = arith.constant 0 : i32
      %lt3A_61 = arith.cmpi slt, %rem3A_58, %lt3A : i32
      %lt3A_62 = arith.constant 0 : i32
      %lt3A_63 = arith.cmpi slt, %select_n3A_57, %lt3A_62 : i32
      %ne3A_64 = arith.xori %lt3A_61, %lt3A_63 : i1
      %and3A_65 = arith.andi %ne3A_64, %ne3A_60 : i1
      %add3A_66 = arith.addi %rem3A_58, %select_n3A_57 : i32
      %select_n3A_67 = arith.select %and3A_65, %add3A_66, %rem3A_58 : i32
      %mul3A_68 = arith.constant 16 : i32
      %mul3A_69 = arith.muli %select_n3A_67, %mul3A_68 : i32
      %swap3A = arith.index_cast %select_n3A : i32 to index
      %swap3A_70 = arith.index_cast %mul3A_69 : i32 to index
      %swap3A_71 = tpu.vector_load %arg6[%swap3A, %swap3A_70] {strides = array<i32>} : memref<64x128xf32, #tpu.memory_space<vmem>>, vector<1x16xf32>,
      %swap3A_72 = vector.shape_cast %swap3A_71 : vector<1x16xf32> to vector<16xf32>
      %swap3A_73 = vector.shape_cast %broadcast_in_dim3A_9 : vector<16xf32> to vector<1x16xf32>
      tpu.vector_store %arg6[%swap3A, %swap3A_70], %swap3A_73 {strides = array<i32>} : memref<64x128xf32, #tpu.memory_space<vmem>>, vector<1x16xf32>,
      %scan3A_74 = arith.constant 0 : i32
      scf.yield %scan3A_74 : i32
    }
    %scan3A_16 = arith.constant 512 : i32
    %scan3A_17 = arith.constant 0 : i32
    %scan3A_18 = arith.constant 0 : i32
    %scan3A_19 = arith.constant 10 : i32
    %scan3A_20 = arith.addi %scan3A_18, %scan3A_19 : i32
    %scan3A_21 = arith.constant 1 : i32
    %scan3A_22 = scf.for %scan3A_36 = %scan3A_18 to %scan3A_20 step %scan3A_21 iter_args(%scan3A_37 = %scan3A_17) -> (i32)  : i32 {
      %mul3A_38 = arith.constant 640 : i32
      %mul3A_39 = arith.muli %arg1, %mul3A_38 : i32
      %mul3A_40 = arith.constant 64 : i32
      %mul3A_41 = arith.muli %scan3A_36, %mul3A_40 : i32
      %add3A_42 = arith.addi %mul3A_39, %mul3A_41 : i32
      "tpu.region"() ({
        %run_scoped3A = tpu.sem_alloc : memref<!tpu.dma_semaphore, #tpu.memory_space<semaphore_mem>>
        %dma_start3A = arith.constant 0 : i32
        %dma_start3A_44 = tpu.memref_slice %arg7[%add3A_42, %dma_start3A] : memref<10240x128xf32, #tpu.memory_space<vmem_shared>> -> memref<64x128xf32, #tpu.memory_space<vmem_shared>>
        %dma_start3A_45 = arith.constant 0 : i32
        %dma_start3A_46 = tpu.memref_slice %arg7[%add3A_42, %dma_start3A_45] : memref<10240x128xf32, #tpu.memory_space<vmem_shared>> -> memref<64x128xf32, #tpu.memory_space<vmem_shared>>
        tpu.enqueue_dma source(%arg6 : memref<64x128xf32, #tpu.memory_space<vmem>>) target(%dma_start3A_46 : memref<64x128xf32, #tpu.memory_space<vmem_shared>>) target_semaphore(%run_scoped3A : memref<!tpu.dma_semaphore, #tpu.memory_space<semaphore_mem>>)
        %dma_wait3A = arith.constant 0 : i32
        %dma_wait3A_47 = tpu.memref_slice %arg7[%add3A_42, %dma_wait3A] : memref<10240x128xf32, #tpu.memory_space<vmem_shared>> -> memref<64x128xf32, #tpu.memory_space<vmem_shared>>
        %dma_wait3A_48 = arith.constant 0 : i32
        %dma_wait3A_49 = tpu.memref_slice %arg7[%add3A_42, %dma_wait3A_48] : memref<10240x128xf32, #tpu.memory_space<vmem_shared>> -> memref<64x128xf32, #tpu.memory_space<vmem_shared>>
        tpu.wait_dma2 semaphore(%run_scoped3A : memref<!tpu.dma_semaphore, #tpu.memory_space<semaphore_mem>>) src(%arg6 : memref<64x128xf32, #tpu.memory_space<vmem>>) dst(%dma_wait3A_49 : memref<64x128xf32, #tpu.memory_space<vmem_shared>>)
        tpu.yield
      }) : () -> ()
      %scan3A_43 = arith.constant 0 : i32
      scf.yield %scan3A_43 : i32
    }
    %scan3A_23 = arith.constant 10 : i32
    %barrier3A = arith.constant 0 : index
    tpu.barrier barrier_id(%barrier3A)
    %scan3A_24 = arith.constant 0 : i32
    %scan3A_25 = arith.constant 0 : i32
    %scan3A_26 = arith.constant 79 : i32
    %scan3A_27 = arith.addi %scan3A_25, %scan3A_26 : i32
    %scan3A_28 = arith.constant 1 : i32
    %scan3A_29 = scf.for %scan3A_36 = %scan3A_25 to %scan3A_27 step %scan3A_28 iter_args(%scan3A_37 = %scan3A_24) -> (i32)  : i32 {
      "tpu.region"() ({
        %run_scoped3A = tpu.sem_alloc : memref<!tpu.dma_semaphore, #tpu.memory_space<semaphore_mem>>
        %dma_start3A = arith.constant 0 : i32
        %dma_start3A_39 = tpu.memref_slice %arg4[%scan3A_36, %dma_start3A] : memref<79x128xi32, #tpu.memory_space<vmem>> -> memref<1x128xi32, #tpu.memory_space<vmem>>
        %dma_start3A_40 = tpu.memref_squeeze %dma_start3A_39 : memref<1x128xi32, #tpu.memory_space<vmem>> -> memref<128xi32, #tpu.memory_space<vmem>>
        %dma_start3A_41 = arith.constant 0 : i32
        %dma_start3A_42 = arith.constant 0 : i32
        %dma_start3A_43 = tpu.memref_slice %arg7[%dma_start3A_41, %dma_start3A_42] : memref<10240x128xf32, #tpu.memory_space<vmem_shared>> -> memref<10240x128xf32, #tpu.memory_space<vmem_shared>>
        tpu.enqueue_indirect_dma source(%arg5 : memref<128x128xf32, #tpu.memory_space<vmem>>) target(%dma_start3A_43 : memref<10240x128xf32, #tpu.memory_space<vmem_shared>>) offsets(%dma_start3A_40 : memref<128xi32, #tpu.memory_space<vmem>>) semaphore(%run_scoped3A : memref<!tpu.dma_semaphore, #tpu.memory_space<semaphore_mem>>) {add = true}
        %dma_wait3A = arith.constant 0 : i32
        %dma_wait3A_44 = tpu.memref_slice %arg4[%scan3A_36, %dma_wait3A] : memref<79x128xi32, #tpu.memory_space<vmem>> -> memref<1x128xi32, #tpu.memory_space<vmem>>
        %dma_wait3A_45 = tpu.memref_squeeze %dma_wait3A_44 : memref<1x128xi32, #tpu.memory_space<vmem>> -> memref<128xi32, #tpu.memory_space<vmem>>
        %dma_wait3A_46 = arith.constant 0 : i32
        %dma_wait3A_47 = arith.constant 0 : i32
        %dma_wait3A_48 = tpu.memref_slice %arg7[%dma_wait3A_46, %dma_wait3A_47] : memref<10240x128xf32, #tpu.memory_space<vmem_shared>> -> memref<10240x128xf32, #tpu.memory_space<vmem_shared>>
        tpu.wait_indirect_dma semaphore(%run_scoped3A : memref<!tpu.dma_semaphore, #tpu.memory_space<semaphore_mem>>) src(%arg5 : memref<128x128xf32, #tpu.memory_space<vmem>>) dst(%dma_wait3A_48 : memref<10240x128xf32, #tpu.memory_space<vmem_shared>>)
        tpu.yield
      }) : () -> ()
      %scan3A_38 = arith.constant 0 : i32
      scf.yield %scan3A_38 : i32
    }
    %scan3A_30 = arith.constant 79 : i32
    %barrier3A_31 = arith.constant 0 : index
    tpu.barrier barrier_id(%barrier3A_31)
    %mul3A_32 = arith.constant 640 : i32
    %mul3A_33 = arith.muli %arg1, %mul3A_32 : i32
    %mul3A_34 = arith.constant 640 : i32
    %mul3A_35 = arith.muli %arg1, %mul3A_34 : i32
    "tpu.region"() ({
      %run_scoped3A = tpu.sem_alloc : memref<!tpu.dma_semaphore, #tpu.memory_space<semaphore_mem>>
      %dma_start3A = arith.constant 0 : i32
      %dma_start3A_36 = tpu.memref_slice %arg3[%arg0, %mul3A_35, %dma_start3A] : memref<2x10240x128xf32, #tpu.memory_space<hbm>> -> memref<1x640x128xf32, #tpu.memory_space<hbm>>
      %dma_start3A_37 = tpu.memref_squeeze %dma_start3A_36 : memref<1x640x128xf32, #tpu.memory_space<hbm>> -> memref<640x128xf32, #tpu.memory_space<hbm>>
      %dma_start3A_38 = arith.constant 0 : i32
      %dma_start3A_39 = tpu.memref_slice %arg7[%mul3A_33, %dma_start3A_38] : memref<10240x128xf32, #tpu.memory_space<vmem_shared>> -> memref<640x128xf32, #tpu.memory_space<vmem_shared>>
      tpu.enqueue_dma source(%dma_start3A_39 : memref<640x128xf32, #tpu.memory_space<vmem_shared>>) target(%dma_start3A_37 : memref<640x128xf32, #tpu.memory_space<hbm>>) target_semaphore(%run_scoped3A : memref<!tpu.dma_semaphore, #tpu.memory_space<semaphore_mem>>)
      %dma_wait3A = arith.constant 0 : i32
      %dma_wait3A_40 = tpu.memref_slice %arg3[%arg0, %mul3A_35, %dma_wait3A] : memref<2x10240x128xf32, #tpu.memory_space<hbm>> -> memref<1x640x128xf32, #tpu.memory_space<hbm>>
      %dma_wait3A_41 = tpu.memref_squeeze %dma_wait3A_40 : memref<1x640x128xf32, #tpu.memory_space<hbm>> -> memref<640x128xf32, #tpu.memory_space<hbm>>
      %dma_wait3A_42 = arith.constant 0 : i32
      %dma_wait3A_43 = tpu.memref_slice %arg7[%mul3A_33, %dma_wait3A_42] : memref<10240x128xf32, #tpu.memory_space<vmem_shared>> -> memref<640x128xf32, #tpu.memory_space<vmem_shared>>
      tpu.wait_dma2 semaphore(%run_scoped3A : memref<!tpu.dma_semaphore, #tpu.memory_space<semaphore_mem>>) src(%dma_wait3A_43 : memref<640x128xf32, #tpu.memory_space<vmem_shared>>) dst(%dma_wait3A_41 : memref<640x128xf32, #tpu.memory_space<hbm>>)
      tpu.yield
    }) : () -> ()
    return
  }
}

#map = affine_map<(d0, d1) -> (0, 0)>
#map1 = affine_map<(d0, d1) -> (0, 0, 0)>
module attributes {stable_mosaic.version = 14 : i64} {
  func.func @_sc_hop(%arg0: i32, %arg1: i32, %arg2: memref<10240x128xf32, #tpu.memory_space<hbm>>, %arg3: memref<32x79x128xi32, #tpu.memory_space<hbm>>, %arg4: memref<32x79x128xi32, #tpu.memory_space<hbm>>, %arg5: memref<2x10240x128xf32, #tpu.memory_space<hbm>>, %arg6: memref<79x128xi32, #tpu.memory_space<vmem>>, %arg7: memref<79x128xi32, #tpu.memory_space<vmem>>, %arg8: memref<128x128xf32, #tpu.memory_space<vmem>>, %arg9: memref<64x128xf32, #tpu.memory_space<vmem>>, %arg10: memref<10240x128xf32, #tpu.memory_space<vmem_shared>>, %arg11: memref<!tpu.dma_semaphore, #tpu.memory_space<semaphore_mem>>) attributes {dimension_semantics = [#tpu.dimension_semantics<core_parallel>, #tpu.dimension_semantics<subcore_parallel>], iteration_bounds = array<i64: 2, 16>, scalar_prefetch = 0 : i64, scratch_operands = 6 : i64, tpu.core_type = #tpu.core_type<sc_vector_subcore>, window_params = [{transform_indices = #map}, {transform_indices = #map1}, {transform_indices = #map1}, {transform_indices = #map1}]} {
    %mul3A = arith.constant 2 : i32
    %mul3A_0 = arith.muli %arg1, %mul3A : i32
    %add3A = arith.addi %mul3A_0, %arg0 : i32
    "tpu.region"() ({
      %run_scoped3A = tpu.sem_alloc : memref<!tpu.dma_semaphore, #tpu.memory_space<semaphore_mem>>
      %dma_start3A = arith.constant 0 : i32
      %dma_start3A_27 = arith.constant 0 : i32
      %dma_start3A_28 = tpu.memref_slice %arg3[%add3A, %dma_start3A, %dma_start3A_27] : memref<32x79x128xi32, #tpu.memory_space<hbm>> -> memref<1x79x128xi32, #tpu.memory_space<hbm>>
      %dma_start3A_29 = tpu.memref_squeeze %dma_start3A_28 : memref<1x79x128xi32, #tpu.memory_space<hbm>> -> memref<79x128xi32, #tpu.memory_space<hbm>>
      %dma_start3A_30 = arith.constant 0 : i32
      %dma_start3A_31 = arith.constant 0 : i32
      %dma_start3A_32 = tpu.memref_slice %arg3[%add3A, %dma_start3A_30, %dma_start3A_31] : memref<32x79x128xi32, #tpu.memory_space<hbm>> -> memref<1x79x128xi32, #tpu.memory_space<hbm>>
      %dma_start3A_33 = tpu.memref_squeeze %dma_start3A_32 : memref<1x79x128xi32, #tpu.memory_space<hbm>> -> memref<79x128xi32, #tpu.memory_space<hbm>>
      tpu.enqueue_dma source(%dma_start3A_33 : memref<79x128xi32, #tpu.memory_space<hbm>>) target(%arg6 : memref<79x128xi32, #tpu.memory_space<vmem>>) target_semaphore(%run_scoped3A : memref<!tpu.dma_semaphore, #tpu.memory_space<semaphore_mem>>)
      %dma_wait3A = arith.constant 0 : i32
      %dma_wait3A_34 = arith.constant 0 : i32
      %dma_wait3A_35 = tpu.memref_slice %arg3[%add3A, %dma_wait3A, %dma_wait3A_34] : memref<32x79x128xi32, #tpu.memory_space<hbm>> -> memref<1x79x128xi32, #tpu.memory_space<hbm>>
      %dma_wait3A_36 = tpu.memref_squeeze %dma_wait3A_35 : memref<1x79x128xi32, #tpu.memory_space<hbm>> -> memref<79x128xi32, #tpu.memory_space<hbm>>
      %dma_wait3A_37 = arith.constant 0 : i32
      %dma_wait3A_38 = arith.constant 0 : i32
      %dma_wait3A_39 = tpu.memref_slice %arg3[%add3A, %dma_wait3A_37, %dma_wait3A_38] : memref<32x79x128xi32, #tpu.memory_space<hbm>> -> memref<1x79x128xi32, #tpu.memory_space<hbm>>
      %dma_wait3A_40 = tpu.memref_squeeze %dma_wait3A_39 : memref<1x79x128xi32, #tpu.memory_space<hbm>> -> memref<79x128xi32, #tpu.memory_space<hbm>>
      tpu.wait_dma2 semaphore(%run_scoped3A : memref<!tpu.dma_semaphore, #tpu.memory_space<semaphore_mem>>) src(%dma_wait3A_40 : memref<79x128xi32, #tpu.memory_space<hbm>>) dst(%arg6 : memref<79x128xi32, #tpu.memory_space<vmem>>)
      tpu.yield
    }) : () -> ()
    "tpu.region"() ({
      %run_scoped3A = tpu.sem_alloc : memref<!tpu.dma_semaphore, #tpu.memory_space<semaphore_mem>>
      %dma_start3A = arith.constant 0 : i32
      %dma_start3A_27 = arith.constant 0 : i32
      %dma_start3A_28 = tpu.memref_slice %arg4[%add3A, %dma_start3A, %dma_start3A_27] : memref<32x79x128xi32, #tpu.memory_space<hbm>> -> memref<1x79x128xi32, #tpu.memory_space<hbm>>
      %dma_start3A_29 = tpu.memref_squeeze %dma_start3A_28 : memref<1x79x128xi32, #tpu.memory_space<hbm>> -> memref<79x128xi32, #tpu.memory_space<hbm>>
      %dma_start3A_30 = arith.constant 0 : i32
      %dma_start3A_31 = arith.constant 0 : i32
      %dma_start3A_32 = tpu.memref_slice %arg4[%add3A, %dma_start3A_30, %dma_start3A_31] : memref<32x79x128xi32, #tpu.memory_space<hbm>> -> memref<1x79x128xi32, #tpu.memory_space<hbm>>
      %dma_start3A_33 = tpu.memref_squeeze %dma_start3A_32 : memref<1x79x128xi32, #tpu.memory_space<hbm>> -> memref<79x128xi32, #tpu.memory_space<hbm>>
      tpu.enqueue_dma source(%dma_start3A_33 : memref<79x128xi32, #tpu.memory_space<hbm>>) target(%arg7 : memref<79x128xi32, #tpu.memory_space<vmem>>) target_semaphore(%run_scoped3A : memref<!tpu.dma_semaphore, #tpu.memory_space<semaphore_mem>>)
      %dma_wait3A = arith.constant 0 : i32
      %dma_wait3A_34 = arith.constant 0 : i32
      %dma_wait3A_35 = tpu.memref_slice %arg4[%add3A, %dma_wait3A, %dma_wait3A_34] : memref<32x79x128xi32, #tpu.memory_space<hbm>> -> memref<1x79x128xi32, #tpu.memory_space<hbm>>
      %dma_wait3A_36 = tpu.memref_squeeze %dma_wait3A_35 : memref<1x79x128xi32, #tpu.memory_space<hbm>> -> memref<79x128xi32, #tpu.memory_space<hbm>>
      %dma_wait3A_37 = arith.constant 0 : i32
      %dma_wait3A_38 = arith.constant 0 : i32
      %dma_wait3A_39 = tpu.memref_slice %arg4[%add3A, %dma_wait3A_37, %dma_wait3A_38] : memref<32x79x128xi32, #tpu.memory_space<hbm>> -> memref<1x79x128xi32, #tpu.memory_space<hbm>>
      %dma_wait3A_40 = tpu.memref_squeeze %dma_wait3A_39 : memref<1x79x128xi32, #tpu.memory_space<hbm>> -> memref<79x128xi32, #tpu.memory_space<hbm>>
      tpu.wait_dma2 semaphore(%run_scoped3A : memref<!tpu.dma_semaphore, #tpu.memory_space<semaphore_mem>>) src(%dma_wait3A_40 : memref<79x128xi32, #tpu.memory_space<hbm>>) dst(%arg7 : memref<79x128xi32, #tpu.memory_space<vmem>>)
      tpu.yield
    }) : () -> ()
    %broadcast_in_dim3A = arith.constant 0.000000e+00 : f32
    %broadcast_in_dim3A_1 = vector.broadcast %broadcast_in_dim3A : f32 to vector<16xf32>
    %scan3A = arith.constant 0 : i32
    %scan3A_2 = arith.constant 0 : i32
    %scan3A_3 = arith.constant 512 : i32
    %scan3A_4 = arith.addi %scan3A_2, %scan3A_3 : i32
    %scan3A_5 = arith.constant 1 : i32
    %scan3A_6 = scf.for %scan3A_27 = %scan3A_2 to %scan3A_4 step %scan3A_5 iter_args(%scan3A_28 = %scan3A) -> (i32)  : i32 {
      %jit3A = arith.constant 8 : i32
      %div3A = arith.divsi %scan3A_27, %jit3A : i32
      %sign3A = arith.constant 0 : i32
      %sign3A_29 = arith.cmpi sgt, %scan3A_27, %sign3A : i32
      %sign3A_30 = arith.extui %sign3A_29 : i1 to i32
      %sign3A_31 = arith.constant 0 : i32
      %sign3A_32 = arith.cmpi slt, %scan3A_27, %sign3A_31 : i32
      %sign3A_33 = arith.extui %sign3A_32 : i1 to i32
      %sign3A_34 = arith.subi %sign3A_30, %sign3A_33 : i32
      %sign3A_35 = arith.constant 0 : i32
      %sign3A_36 = arith.cmpi sgt, %jit3A, %sign3A_35 : i32
      %sign3A_37 = arith.extui %sign3A_36 : i1 to i32
      %sign3A_38 = arith.constant 0 : i32
      %sign3A_39 = arith.cmpi slt, %jit3A, %sign3A_38 : i32
      %sign3A_40 = arith.extui %sign3A_39 : i1 to i32
      %sign3A_41 = arith.subi %sign3A_37, %sign3A_40 : i32
      %ne3A = arith.cmpi ne, %sign3A_34, %sign3A_41 : i32
      %rem3A = arith.remsi %scan3A_27, %jit3A : i32
      %ne3A_42 = arith.constant 0 : i32
      %ne3A_43 = arith.cmpi ne, %rem3A, %ne3A_42 : i32
      %and3A = arith.andi %ne3A, %ne3A_43 : i1
      %sub3A = arith.constant 1 : i32
      %sub3A_44 = arith.subi %div3A, %sub3A : i32
      %select_n3A = arith.select %and3A, %sub3A_44, %div3A : i32
      %jit3A_45 = arith.constant 8 : i32
      %eq3A = arith.constant 0 : i32
      %eq3A_46 = arith.cmpi eq, %jit3A_45, %eq3A : i32
      %jit3A_47 = arith.constant 1 : i32
      %select_n3A_48 = arith.select %eq3A_46, %jit3A_47, %jit3A_45 : i32
      %rem3A_49 = arith.remsi %scan3A_27, %select_n3A_48 : i32
      %ne3A_50 = arith.constant 0 : i32
      %ne3A_51 = arith.cmpi ne, %rem3A_49, %ne3A_50 : i32
      %lt3A = arith.constant 0 : i32
      %lt3A_52 = arith.cmpi slt, %rem3A_49, %lt3A : i32
      %lt3A_53 = arith.constant 0 : i32
      %lt3A_54 = arith.cmpi slt, %select_n3A_48, %lt3A_53 : i32
      %ne3A_55 = arith.xori %lt3A_52, %lt3A_54 : i1
      %and3A_56 = arith.andi %ne3A_55, %ne3A_51 : i1
      %add3A_57 = arith.addi %rem3A_49, %select_n3A_48 : i32
      %select_n3A_58 = arith.select %and3A_56, %add3A_57, %rem3A_49 : i32
      %mul3A_59 = arith.constant 16 : i32
      %mul3A_60 = arith.muli %select_n3A_58, %mul3A_59 : i32
      %swap3A = arith.index_cast %select_n3A : i32 to index
      %swap3A_61 = arith.index_cast %mul3A_60 : i32 to index
      %swap3A_62 = tpu.vector_load %arg9[%swap3A, %swap3A_61] {strides = array<i32>} : memref<64x128xf32, #tpu.memory_space<vmem>>, vector<1x16xf32>,
      %swap3A_63 = vector.shape_cast %swap3A_62 : vector<1x16xf32> to vector<16xf32>
      %swap3A_64 = vector.shape_cast %broadcast_in_dim3A_1 : vector<16xf32> to vector<1x16xf32>
      tpu.vector_store %arg9[%swap3A, %swap3A_61], %swap3A_64 {strides = array<i32>} : memref<64x128xf32, #tpu.memory_space<vmem>>, vector<1x16xf32>,
      %scan3A_65 = arith.constant 0 : i32
      scf.yield %scan3A_65 : i32
    }
    %scan3A_7 = arith.constant 512 : i32
    %scan3A_8 = arith.constant 0 : i32
    %scan3A_9 = arith.constant 0 : i32
    %scan3A_10 = arith.constant 10 : i32
    %scan3A_11 = arith.addi %scan3A_9, %scan3A_10 : i32
    %scan3A_12 = arith.constant 1 : i32
    %scan3A_13 = scf.for %scan3A_27 = %scan3A_9 to %scan3A_11 step %scan3A_12 iter_args(%scan3A_28 = %scan3A_8) -> (i32)  : i32 {
      %mul3A_29 = arith.constant 640 : i32
      %mul3A_30 = arith.muli %arg1, %mul3A_29 : i32
      %mul3A_31 = arith.constant 64 : i32
      %mul3A_32 = arith.muli %scan3A_27, %mul3A_31 : i32
      %add3A_33 = arith.addi %mul3A_30, %mul3A_32 : i32
      "tpu.region"() ({
        %run_scoped3A = tpu.sem_alloc : memref<!tpu.dma_semaphore, #tpu.memory_space<semaphore_mem>>
        %dma_start3A = arith.constant 0 : i32
        %dma_start3A_35 = tpu.memref_slice %arg10[%add3A_33, %dma_start3A] : memref<10240x128xf32, #tpu.memory_space<vmem_shared>> -> memref<64x128xf32, #tpu.memory_space<vmem_shared>>
        %dma_start3A_36 = arith.constant 0 : i32
        %dma_start3A_37 = tpu.memref_slice %arg10[%add3A_33, %dma_start3A_36] : memref<10240x128xf32, #tpu.memory_space<vmem_shared>> -> memref<64x128xf32, #tpu.memory_space<vmem_shared>>
        tpu.enqueue_dma source(%arg9 : memref<64x128xf32, #tpu.memory_space<vmem>>) target(%dma_start3A_37 : memref<64x128xf32, #tpu.memory_space<vmem_shared>>) target_semaphore(%run_scoped3A : memref<!tpu.dma_semaphore, #tpu.memory_space<semaphore_mem>>)
        %dma_wait3A = arith.constant 0 : i32
        %dma_wait3A_38 = tpu.memref_slice %arg10[%add3A_33, %dma_wait3A] : memref<10240x128xf32, #tpu.memory_space<vmem_shared>> -> memref<64x128xf32, #tpu.memory_space<vmem_shared>>
        %dma_wait3A_39 = arith.constant 0 : i32
        %dma_wait3A_40 = tpu.memref_slice %arg10[%add3A_33, %dma_wait3A_39] : memref<10240x128xf32, #tpu.memory_space<vmem_shared>> -> memref<64x128xf32, #tpu.memory_space<vmem_shared>>
        tpu.wait_dma2 semaphore(%run_scoped3A : memref<!tpu.dma_semaphore, #tpu.memory_space<semaphore_mem>>) src(%arg9 : memref<64x128xf32, #tpu.memory_space<vmem>>) dst(%dma_wait3A_40 : memref<64x128xf32, #tpu.memory_space<vmem_shared>>)
        tpu.yield
      }) : () -> ()
      %scan3A_34 = arith.constant 0 : i32
      scf.yield %scan3A_34 : i32
    }
    %scan3A_14 = arith.constant 10 : i32
    %barrier3A = arith.constant 0 : index
    tpu.barrier barrier_id(%barrier3A)
    %scan3A_15 = arith.constant 0 : i32
    %scan3A_16 = arith.constant 0 : i32
    %scan3A_17 = arith.constant 79 : i32
    %scan3A_18 = arith.addi %scan3A_16, %scan3A_17 : i32
    %scan3A_19 = arith.constant 1 : i32
    %scan3A_20 = scf.for %scan3A_27 = %scan3A_16 to %scan3A_18 step %scan3A_19 iter_args(%scan3A_28 = %scan3A_15) -> (i32)  : i32 {
      %dma_start3A = arith.constant 0 : i32
      %dma_start3A_29 = tpu.memref_slice %arg6[%scan3A_27, %dma_start3A] : memref<79x128xi32, #tpu.memory_space<vmem>> -> memref<1x128xi32, #tpu.memory_space<vmem>>
      %dma_start3A_30 = tpu.memref_squeeze %dma_start3A_29 : memref<1x128xi32, #tpu.memory_space<vmem>> -> memref<128xi32, #tpu.memory_space<vmem>>
      %dma_start3A_31 = arith.constant 0 : i32
      %dma_start3A_32 = arith.constant 0 : i32
      %dma_start3A_33 = tpu.memref_slice %arg2[%dma_start3A_31, %dma_start3A_32] : memref<10240x128xf32, #tpu.memory_space<hbm>> -> memref<10240x128xf32, #tpu.memory_space<hbm>>
      tpu.enqueue_indirect_dma source(%dma_start3A_33 : memref<10240x128xf32, #tpu.memory_space<hbm>>) target(%arg8 : memref<128x128xf32, #tpu.memory_space<vmem>>) offsets(%dma_start3A_30 : memref<128xi32, #tpu.memory_space<vmem>>) semaphore(%arg11 : memref<!tpu.dma_semaphore, #tpu.memory_space<semaphore_mem>>)
      %dma_wait3A = arith.constant 0 : i32
      %dma_wait3A_34 = tpu.memref_slice %arg6[%scan3A_27, %dma_wait3A] : memref<79x128xi32, #tpu.memory_space<vmem>> -> memref<1x128xi32, #tpu.memory_space<vmem>>
      %dma_wait3A_35 = tpu.memref_squeeze %dma_wait3A_34 : memref<1x128xi32, #tpu.memory_space<vmem>> -> memref<128xi32, #tpu.memory_space<vmem>>
      %dma_wait3A_36 = arith.constant 0 : i32
      %dma_wait3A_37 = arith.constant 0 : i32
      %dma_wait3A_38 = tpu.memref_slice %arg2[%dma_wait3A_36, %dma_wait3A_37] : memref<10240x128xf32, #tpu.memory_space<hbm>> -> memref<10240x128xf32, #tpu.memory_space<hbm>>
      tpu.wait_indirect_dma semaphore(%arg11 : memref<!tpu.dma_semaphore, #tpu.memory_space<semaphore_mem>>) src(%dma_wait3A_38 : memref<10240x128xf32, #tpu.memory_space<hbm>>) dst(%arg8 : memref<128x128xf32, #tpu.memory_space<vmem>>)
      "tpu.region"() ({
        %run_scoped3A = tpu.sem_alloc : memref<!tpu.dma_semaphore, #tpu.memory_space<semaphore_mem>>
        %dma_start3A_40 = arith.constant 0 : i32
        %dma_start3A_41 = tpu.memref_slice %arg7[%scan3A_27, %dma_start3A_40] : memref<79x128xi32, #tpu.memory_space<vmem>> -> memref<1x128xi32, #tpu.memory_space<vmem>>
        %dma_start3A_42 = tpu.memref_squeeze %dma_start3A_41 : memref<1x128xi32, #tpu.memory_space<vmem>> -> memref<128xi32, #tpu.memory_space<vmem>>
        %dma_start3A_43 = arith.constant 0 : i32
        %dma_start3A_44 = arith.constant 0 : i32
        %dma_start3A_45 = tpu.memref_slice %arg10[%dma_start3A_43, %dma_start3A_44] : memref<10240x128xf32, #tpu.memory_space<vmem_shared>> -> memref<10240x128xf32, #tpu.memory_space<vmem_shared>>
        tpu.enqueue_indirect_dma source(%arg8 : memref<128x128xf32, #tpu.memory_space<vmem>>) target(%dma_start3A_45 : memref<10240x128xf32, #tpu.memory_space<vmem_shared>>) offsets(%dma_start3A_42 : memref<128xi32, #tpu.memory_space<vmem>>) semaphore(%run_scoped3A : memref<!tpu.dma_semaphore, #tpu.memory_space<semaphore_mem>>) {add = true}
        %dma_wait3A_46 = arith.constant 0 : i32
        %dma_wait3A_47 = tpu.memref_slice %arg7[%scan3A_27, %dma_wait3A_46] : memref<79x128xi32, #tpu.memory_space<vmem>> -> memref<1x128xi32, #tpu.memory_space<vmem>>
        %dma_wait3A_48 = tpu.memref_squeeze %dma_wait3A_47 : memref<1x128xi32, #tpu.memory_space<vmem>> -> memref<128xi32, #tpu.memory_space<vmem>>
        %dma_wait3A_49 = arith.constant 0 : i32
        %dma_wait3A_50 = arith.constant 0 : i32
        %dma_wait3A_51 = tpu.memref_slice %arg10[%dma_wait3A_49, %dma_wait3A_50] : memref<10240x128xf32, #tpu.memory_space<vmem_shared>> -> memref<10240x128xf32, #tpu.memory_space<vmem_shared>>
        tpu.wait_indirect_dma semaphore(%run_scoped3A : memref<!tpu.dma_semaphore, #tpu.memory_space<semaphore_mem>>) src(%arg8 : memref<128x128xf32, #tpu.memory_space<vmem>>) dst(%dma_wait3A_51 : memref<10240x128xf32, #tpu.memory_space<vmem_shared>>)
        tpu.yield
      }) : () -> ()
      %scan3A_39 = arith.constant 0 : i32
      scf.yield %scan3A_39 : i32
    }
    %scan3A_21 = arith.constant 79 : i32
    %barrier3A_22 = arith.constant 0 : index
    tpu.barrier barrier_id(%barrier3A_22)
    %mul3A_23 = arith.constant 640 : i32
    %mul3A_24 = arith.muli %arg1, %mul3A_23 : i32
    %mul3A_25 = arith.constant 640 : i32
    %mul3A_26 = arith.muli %arg1, %mul3A_25 : i32
    "tpu.region"() ({
      %run_scoped3A = tpu.sem_alloc : memref<!tpu.dma_semaphore, #tpu.memory_space<semaphore_mem>>
      %dma_start3A = arith.constant 0 : i32
      %dma_start3A_27 = tpu.memref_slice %arg5[%arg0, %mul3A_26, %dma_start3A] : memref<2x10240x128xf32, #tpu.memory_space<hbm>> -> memref<1x640x128xf32, #tpu.memory_space<hbm>>
      %dma_start3A_28 = tpu.memref_squeeze %dma_start3A_27 : memref<1x640x128xf32, #tpu.memory_space<hbm>> -> memref<640x128xf32, #tpu.memory_space<hbm>>
      %dma_start3A_29 = arith.constant 0 : i32
      %dma_start3A_30 = tpu.memref_slice %arg10[%mul3A_24, %dma_start3A_29] : memref<10240x128xf32, #tpu.memory_space<vmem_shared>> -> memref<640x128xf32, #tpu.memory_space<vmem_shared>>
      tpu.enqueue_dma source(%dma_start3A_30 : memref<640x128xf32, #tpu.memory_space<vmem_shared>>) target(%dma_start3A_28 : memref<640x128xf32, #tpu.memory_space<hbm>>) target_semaphore(%run_scoped3A : memref<!tpu.dma_semaphore, #tpu.memory_space<semaphore_mem>>)
      %dma_wait3A = arith.constant 0 : i32
      %dma_wait3A_31 = tpu.memref_slice %arg5[%arg0, %mul3A_26, %dma_wait3A] : memref<2x10240x128xf32, #tpu.memory_space<hbm>> -> memref<1x640x128xf32, #tpu.memory_space<hbm>>
      %dma_wait3A_32 = tpu.memref_squeeze %dma_wait3A_31 : memref<1x640x128xf32, #tpu.memory_space<hbm>> -> memref<640x128xf32, #tpu.memory_space<hbm>>
      %dma_wait3A_33 = arith.constant 0 : i32
      %dma_wait3A_34 = tpu.memref_slice %arg10[%mul3A_24, %dma_wait3A_33] : memref<10240x128xf32, #tpu.memory_space<vmem_shared>> -> memref<640x128xf32, #tpu.memory_space<vmem_shared>>
      tpu.wait_dma2 semaphore(%run_scoped3A : memref<!tpu.dma_semaphore, #tpu.memory_space<semaphore_mem>>) src(%dma_wait3A_34 : memref<640x128xf32, #tpu.memory_space<vmem_shared>>) dst(%dma_wait3A_32 : memref<640x128xf32, #tpu.memory_space<hbm>>)
      tpu.yield
    }) : () -> ()
    return
  }
}

module attributes {stable_mosaic.version = 14 : i64} {
  func.func @_prep_body(%arg0: i32, %arg1: memref<1024x128xf32, #tpu.memory_space<vmem>>, %arg2: memref<128x128xf32, #tpu.memory_space<vmem>>, %arg3: memref<2x1024x128xf32, #tpu.memory_space<vmem>>, %arg4: memref<1024x128xf32, #tpu.memory_space<vmem>>) attributes {dimension_semantics = [#tpu.dimension_semantics<arbitrary>], iteration_bounds = array<i64: 10>, scalar_prefetch = 0 : i64, scratch_operands = 0 : i64, tpu.core_type = #tpu.core_type<tc>, window_params = [{transform_indices = @transform_0, window_bounds = array<i64: 1024, 128>}, {pipeline_mode = #tpu.pipeline_mode<synchronous>, transform_indices = @transform_1, window_bounds = array<i64: 128, 128>}, {transform_indices = @transform_2, window_bounds = array<i64: 2, 1024, 128>}, {transform_indices = @transform_3, window_bounds = array<i64: 1024, 128>}]} {
    %get3A = arith.constant 0 : index
    %get3A_0 = arith.constant 0 : index
    %get3A_1 = arith.constant 0 : index
    %get3A_2 = vector.load %arg3[%get3A, %get3A_0, %get3A_1] : memref<2x1024x128xf32, #tpu.memory_space<vmem>>, vector<2x1024x128xf32>
    %slice3A = vector.extract_strided_slice %get3A_2 {offsets = [0, 0, 0], sizes = [1, 1024, 128], strides = [1, 1, 1]} : vector<2x1024x128xf32> to vector<1x1024x128xf32>
    %squeeze3A = vector.shape_cast %slice3A : vector<1x1024x128xf32> to vector<1024x128xf32>
    %add3A = arith.constant 1.000000e+00 : f32
    %add3A_3 = vector.broadcast %add3A : f32 to vector<1024x128xf32>
    %add3A_4 = arith.addf %add3A_3, %squeeze3A : vector<1024x128xf32>
    %slice3A_5 = vector.extract_strided_slice %get3A_2 {offsets = [1, 0, 0], sizes = [1, 1024, 128], strides = [1, 1, 1]} : vector<2x1024x128xf32> to vector<1x1024x128xf32>
    %squeeze3A_6 = vector.shape_cast %slice3A_5 : vector<1x1024x128xf32> to vector<1024x128xf32>
    %add3A_7 = arith.addf %add3A_4, %squeeze3A_6 : vector<1024x128xf32>
    %rsqrt3A = math.rsqrt %add3A_7 : vector<1024x128xf32>
    %get3A_8 = arith.constant 0 : index
    %get3A_9 = arith.constant 0 : index
    %get3A_10 = vector.load %arg1[%get3A_8, %get3A_9] : memref<1024x128xf32, #tpu.memory_space<vmem>>, vector<1024x128xf32>
    %get3A_11 = arith.constant 0 : index
    %get3A_12 = arith.constant 0 : index
    %get3A_13 = vector.load %arg2[%get3A_11, %get3A_12] : memref<128x128xf32, #tpu.memory_space<vmem>>, vector<128x128xf32>
    %dot_general3A = arith.constant dense<0.000000e+00> : vector<1024x128xf32>
    %dot_general3A_14 = tpu.matmul %get3A_10, %get3A_13, %dot_general3A {dimension_numbers = #tpu.dot_dimension_numbers<[1], [0], [0], [1], [0, 0, 1, 1], [], []>, precision = #tpu.contract_precision<fp32>, transpose_lhs_hint = false} : vector<1024x128xf32>, vector<128x128xf32>, vector<1024x128xf32> -> vector<1024x128xf32>
    %mul3A = arith.mulf %dot_general3A_14, %rsqrt3A : vector<1024x128xf32>
    %swap3A = arith.constant 0 : index
    %swap3A_15 = arith.constant 0 : index
    %swap3A_16 = vector.load %arg4[%swap3A, %swap3A_15] : memref<1024x128xf32, #tpu.memory_space<vmem>>, vector<1024x128xf32>
    tpu.vector_store %arg4[%swap3A, %swap3A_15], %mul3A {strides = array<i32>} : memref<1024x128xf32, #tpu.memory_space<vmem>>, vector<1024x128xf32>,
    return
  }
  func.func @transform_0(%arg0: i32) -> (i32, i32) {
    %c0_i32 = arith.constant 0 : i32
    %c0_i32_0 = arith.constant 0 : i32
    return %arg0, %c0_i32 : i32, i32
  }
  func.func @transform_1(%arg0: i32) -> (i32, i32) {
    %c0_i32 = arith.constant 0 : i32
    %c0_i32_0 = arith.constant 0 : i32
    %c0_i32_1 = arith.constant 0 : i32
    return %c0_i32, %c0_i32_0 : i32, i32
  }
  func.func @transform_2(%arg0: i32) -> (i32, i32, i32) {
    %c0_i32 = arith.constant 0 : i32
    %c0_i32_0 = arith.constant 0 : i32
    %c0_i32_1 = arith.constant 0 : i32
    return %c0_i32, %arg0, %c0_i32_0 : i32, i32, i32
  }
  func.func @transform_3(%arg0: i32) -> (i32, i32) {
    %c0_i32 = arith.constant 0 : i32
    %c0_i32_0 = arith.constant 0 : i32
    return %arg0, %c0_i32 : i32, i32
  }
}

module attributes {stable_mosaic.version = 14 : i64} {
  func.func @_mid_body(%arg0: i32, %arg1: memref<2x1024x128xf32, #tpu.memory_space<vmem>>, %arg2: memref<1024x128xf32, #tpu.memory_space<vmem>>, %arg3: memref<2x1024x128xf32, #tpu.memory_space<vmem>>, %arg4: memref<1024x128xf32, #tpu.memory_space<vmem>>) attributes {dimension_semantics = [#tpu.dimension_semantics<arbitrary>], iteration_bounds = array<i64: 10>, scalar_prefetch = 0 : i64, scratch_operands = 0 : i64, tpu.core_type = #tpu.core_type<tc>, window_params = [{transform_indices = @transform_0, window_bounds = array<i64: 2, 1024, 128>}, {transform_indices = @transform_1, window_bounds = array<i64: 1024, 128>}, {transform_indices = @transform_2, window_bounds = array<i64: 2, 1024, 128>}, {transform_indices = @transform_3, window_bounds = array<i64: 1024, 128>}]} {
    %get3A = arith.constant 0 : index
    %get3A_0 = arith.constant 0 : index
    %get3A_1 = arith.constant 0 : index
    %get3A_2 = vector.load %arg1[%get3A, %get3A_0, %get3A_1] : memref<2x1024x128xf32, #tpu.memory_space<vmem>>, vector<1x1024x128xf32>
    %get3A_3 = vector.shape_cast %get3A_2 : vector<1x1024x128xf32> to vector<1024x128xf32>
    %get3A_4 = arith.constant 1 : index
    %get3A_5 = arith.constant 0 : index
    %get3A_6 = arith.constant 0 : index
    %get3A_7 = vector.load %arg1[%get3A_4, %get3A_5, %get3A_6] : memref<2x1024x128xf32, #tpu.memory_space<vmem>>, vector<1x1024x128xf32>
    %get3A_8 = vector.shape_cast %get3A_7 : vector<1x1024x128xf32> to vector<1024x128xf32>
    %add3A = arith.addf %get3A_3, %get3A_8 : vector<1024x128xf32>
    %get3A_9 = arith.constant 0 : index
    %get3A_10 = arith.constant 0 : index
    %get3A_11 = vector.load %arg2[%get3A_9, %get3A_10] : memref<1024x128xf32, #tpu.memory_space<vmem>>, vector<1024x128xf32>
    %add3A_12 = arith.addf %add3A, %get3A_11 : vector<1024x128xf32>
    %get3A_13 = arith.constant 0 : index
    %get3A_14 = arith.constant 0 : index
    %get3A_15 = arith.constant 0 : index
    %get3A_16 = vector.load %arg3[%get3A_13, %get3A_14, %get3A_15] : memref<2x1024x128xf32, #tpu.memory_space<vmem>>, vector<2x1024x128xf32>
    %slice3A = vector.extract_strided_slice %get3A_16 {offsets = [0, 0, 0], sizes = [1, 1024, 128], strides = [1, 1, 1]} : vector<2x1024x128xf32> to vector<1x1024x128xf32>
    %squeeze3A = vector.shape_cast %slice3A : vector<1x1024x128xf32> to vector<1024x128xf32>
    %add3A_17 = arith.constant 1.000000e+00 : f32
    %add3A_18 = vector.broadcast %add3A_17 : f32 to vector<1024x128xf32>
    %add3A_19 = arith.addf %add3A_18, %squeeze3A : vector<1024x128xf32>
    %slice3A_20 = vector.extract_strided_slice %get3A_16 {offsets = [1, 0, 0], sizes = [1, 1024, 128], strides = [1, 1, 1]} : vector<2x1024x128xf32> to vector<1x1024x128xf32>
    %squeeze3A_21 = vector.shape_cast %slice3A_20 : vector<1x1024x128xf32> to vector<1024x128xf32>
    %add3A_22 = arith.addf %add3A_19, %squeeze3A_21 : vector<1024x128xf32>
    %div3A = arith.divf %add3A_12, %add3A_22 : vector<1024x128xf32>
    %swap3A = arith.constant 0 : index
    %swap3A_23 = arith.constant 0 : index
    %swap3A_24 = vector.load %arg4[%swap3A, %swap3A_23] : memref<1024x128xf32, #tpu.memory_space<vmem>>, vector<1024x128xf32>
    tpu.vector_store %arg4[%swap3A, %swap3A_23], %div3A {strides = array<i32>} : memref<1024x128xf32, #tpu.memory_space<vmem>>, vector<1024x128xf32>,
    return
  }
  func.func @transform_0(%arg0: i32) -> (i32, i32, i32) {
    %c0_i32 = arith.constant 0 : i32
    %c0_i32_0 = arith.constant 0 : i32
    %c0_i32_1 = arith.constant 0 : i32
    return %c0_i32, %arg0, %c0_i32_0 : i32, i32, i32
  }
  func.func @transform_1(%arg0: i32) -> (i32, i32) {
    %c0_i32 = arith.constant 0 : i32
    %c0_i32_0 = arith.constant 0 : i32
    return %arg0, %c0_i32 : i32, i32
  }
  func.func @transform_2(%arg0: i32) -> (i32, i32, i32) {
    %c0_i32 = arith.constant 0 : i32
    %c0_i32_0 = arith.constant 0 : i32
    %c0_i32_1 = arith.constant 0 : i32
    return %c0_i32, %arg0, %c0_i32_0 : i32, i32, i32
  }
  func.func @transform_3(%arg0: i32) -> (i32, i32) {
    %c0_i32 = arith.constant 0 : i32
    %c0_i32_0 = arith.constant 0 : i32
    return %arg0, %c0_i32 : i32, i32
  }
}

module attributes {stable_mosaic.version = 14 : i64} {
  func.func @_final_body(%arg0: i32, %arg1: memref<2x1024x128xf32, #tpu.memory_space<vmem>>, %arg2: memref<1024x128xf32, #tpu.memory_space<vmem>>, %arg3: memref<2x1024x128xf32, #tpu.memory_space<vmem>>, %arg4: memref<1x128xf32, #tpu.memory_space<vmem>>, %arg5: memref<128x64xf32, #tpu.memory_space<vmem>>, %arg6: memref<1x64xf32, #tpu.memory_space<vmem>>, %arg7: memref<1024x64xf32, #tpu.memory_space<vmem>>, %arg8: memref<1024x128xf32, #tpu.memory_space<vmem>>) attributes {dimension_semantics = [#tpu.dimension_semantics<arbitrary>], iteration_bounds = array<i64: 10>, scalar_prefetch = 0 : i64, scratch_operands = 0 : i64, tpu.core_type = #tpu.core_type<tc>, window_params = [{transform_indices = @transform_0, window_bounds = array<i64: 2, 1024, 128>}, {transform_indices = @transform_1, window_bounds = array<i64: 1024, 128>}, {transform_indices = @transform_2, window_bounds = array<i64: 2, 1024, 128>}, {pipeline_mode = #tpu.pipeline_mode<synchronous>, transform_indices = @transform_3, window_bounds = array<i64: 1, 128>}, {pipeline_mode = #tpu.pipeline_mode<synchronous>, transform_indices = @transform_4, window_bounds = array<i64: 128, 64>}, {pipeline_mode = #tpu.pipeline_mode<synchronous>, transform_indices = @transform_5, window_bounds = array<i64: 1, 64>}, {transform_indices = @transform_6, window_bounds = array<i64: 1024, 64>}, {transform_indices = @transform_7, window_bounds = array<i64: 1024, 128>}]} {
    %get3A = arith.constant 0 : index
    %get3A_0 = arith.constant 0 : index
    %get3A_1 = arith.constant 0 : index
    %get3A_2 = vector.load %arg3[%get3A, %get3A_0, %get3A_1] : memref<2x1024x128xf32, #tpu.memory_space<vmem>>, vector<2x1024x128xf32>
    %slice3A = vector.extract_strided_slice %get3A_2 {offsets = [0, 0, 0], sizes = [1, 1024, 128], strides = [1, 1, 1]} : vector<2x1024x128xf32> to vector<1x1024x128xf32>
    %squeeze3A = vector.shape_cast %slice3A : vector<1x1024x128xf32> to vector<1024x128xf32>
    %add3A = arith.constant 1.000000e+00 : f32
    %add3A_3 = vector.broadcast %add3A : f32 to vector<1024x128xf32>
    %add3A_4 = arith.addf %add3A_3, %squeeze3A : vector<1024x128xf32>
    %slice3A_5 = vector.extract_strided_slice %get3A_2 {offsets = [1, 0, 0], sizes = [1, 1024, 128], strides = [1, 1, 1]} : vector<2x1024x128xf32> to vector<1x1024x128xf32>
    %squeeze3A_6 = vector.shape_cast %slice3A_5 : vector<1x1024x128xf32> to vector<1024x128xf32>
    %add3A_7 = arith.addf %add3A_4, %squeeze3A_6 : vector<1024x128xf32>
    %rsqrt3A = math.rsqrt %add3A_7 : vector<1024x128xf32>
    %get3A_8 = arith.constant 0 : index
    %get3A_9 = arith.constant 0 : index
    %get3A_10 = arith.constant 0 : index
    %get3A_11 = vector.load %arg1[%get3A_8, %get3A_9, %get3A_10] : memref<2x1024x128xf32, #tpu.memory_space<vmem>>, vector<1x1024x128xf32>
    %get3A_12 = vector.shape_cast %get3A_11 : vector<1x1024x128xf32> to vector<1024x128xf32>
    %get3A_13 = arith.constant 1 : index
    %get3A_14 = arith.constant 0 : index
    %get3A_15 = arith.constant 0 : index
    %get3A_16 = vector.load %arg1[%get3A_13, %get3A_14, %get3A_15] : memref<2x1024x128xf32, #tpu.memory_space<vmem>>, vector<1x1024x128xf32>
    %get3A_17 = vector.shape_cast %get3A_16 : vector<1x1024x128xf32> to vector<1024x128xf32>
    %add3A_18 = arith.addf %get3A_12, %get3A_17 : vector<1024x128xf32>
    %get3A_19 = arith.constant 0 : index
    %get3A_20 = arith.constant 0 : index
    %get3A_21 = vector.load %arg2[%get3A_19, %get3A_20] : memref<1024x128xf32, #tpu.memory_space<vmem>>, vector<1024x128xf32>
    %add3A_22 = arith.addf %add3A_18, %get3A_21 : vector<1024x128xf32>
    %mul3A = arith.mulf %add3A_22, %rsqrt3A : vector<1024x128xf32>
    %get3A_23 = arith.constant 0 : index
    %get3A_24 = arith.constant 0 : index
    %get3A_25 = vector.load %arg4[%get3A_23, %get3A_24] : memref<1x128xf32, #tpu.memory_space<vmem>>, vector<1x128xf32>
    %add3A_26 = vector.broadcast %get3A_25 : vector<1x128xf32> to vector<1024x128xf32>
    %add3A_27 = arith.addf %mul3A, %add3A_26 : vector<1024x128xf32>
    %swap3A = arith.constant 0 : index
    %swap3A_28 = arith.constant 0 : index
    %swap3A_29 = vector.load %arg8[%swap3A, %swap3A_28] : memref<1024x128xf32, #tpu.memory_space<vmem>>, vector<1024x128xf32>
    tpu.vector_store %arg8[%swap3A, %swap3A_28], %add3A_27 {strides = array<i32>} : memref<1024x128xf32, #tpu.memory_space<vmem>>, vector<1024x128xf32>,
    %get3A_30 = arith.constant 0 : index
    %get3A_31 = arith.constant 0 : index
    %get3A_32 = vector.load %arg5[%get3A_30, %get3A_31] : memref<128x64xf32, #tpu.memory_space<vmem>>, vector<128x64xf32>
    %dot_general3A = arith.constant dense<0.000000e+00> : vector<1024x64xf32>
    %dot_general3A_33 = tpu.matmul %add3A_27, %get3A_32, %dot_general3A {dimension_numbers = #tpu.dot_dimension_numbers<[1], [0], [0], [1], [0, 0, 1, 1], [], []>, precision = #tpu.contract_precision<fp32>, transpose_lhs_hint = false} : vector<1024x128xf32>, vector<128x64xf32>, vector<1024x64xf32> -> vector<1024x64xf32>
    %get3A_34 = arith.constant 0 : index
    %get3A_35 = arith.constant 0 : index
    %get3A_36 = vector.load %arg6[%get3A_34, %get3A_35] : memref<1x64xf32, #tpu.memory_space<vmem>>, vector<1x64xf32>
    %add3A_37 = vector.broadcast %get3A_36 : vector<1x64xf32> to vector<1024x64xf32>
    %add3A_38 = arith.addf %dot_general3A_33, %add3A_37 : vector<1024x64xf32>
    %reduce_max3A = arith.constant dense<0xFF800000> : vector<1024xf32>
    %reduce_max3A_39 = vector.multi_reduction <maximumf>, %add3A_38, %reduce_max3A [1] : vector<1024x64xf32> to vector<1024xf32>
    %broadcast_in_dim3A = vector.shape_cast %reduce_max3A_39 : vector<1024xf32> to vector<1024x1xf32>
    %sub3A = vector.broadcast %broadcast_in_dim3A : vector<1024x1xf32> to vector<1024x64xf32>
    %sub3A_40 = arith.subf %add3A_38, %sub3A : vector<1024x64xf32>
    %exp3A = math.exp %sub3A_40 : vector<1024x64xf32>
    %reduce_sum3A = arith.constant dense<0.000000e+00> : vector<1024xf32>
    %reduce_sum3A_41 = vector.multi_reduction <add>, %exp3A, %reduce_sum3A [1] : vector<1024x64xf32> to vector<1024xf32>
    %broadcast_in_dim3A_42 = vector.shape_cast %reduce_sum3A_41 : vector<1024xf32> to vector<1024x1xf32>
    %log3A = math.log %broadcast_in_dim3A_42 : vector<1024x1xf32>
    %add3A_43 = arith.addf %broadcast_in_dim3A, %log3A : vector<1024x1xf32>
    %sub3A_44 = vector.broadcast %add3A_43 : vector<1024x1xf32> to vector<1024x64xf32>
    %sub3A_45 = arith.subf %add3A_38, %sub3A_44 : vector<1024x64xf32>
    %swap3A_46 = arith.constant 0 : index
    %swap3A_47 = arith.constant 0 : index
    %swap3A_48 = vector.load %arg7[%swap3A_46, %swap3A_47] : memref<1024x64xf32, #tpu.memory_space<vmem>>, vector<1024x64xf32>
    tpu.vector_store %arg7[%swap3A_46, %swap3A_47], %sub3A_45 {strides = array<i32>} : memref<1024x64xf32, #tpu.memory_space<vmem>>, vector<1024x64xf32>,
    return
  }
  func.func @transform_0(%arg0: i32) -> (i32, i32, i32) {
    %c0_i32 = arith.constant 0 : i32
    %c0_i32_0 = arith.constant 0 : i32
    %c0_i32_1 = arith.constant 0 : i32
    return %c0_i32, %arg0, %c0_i32_0 : i32, i32, i32
  }
  func.func @transform_1(%arg0: i32) -> (i32, i32) {
    %c0_i32 = arith.constant 0 : i32
    %c0_i32_0 = arith.constant 0 : i32
    return %arg0, %c0_i32 : i32, i32
  }
  func.func @transform_2(%arg0: i32) -> (i32, i32, i32) {
    %c0_i32 = arith.constant 0 : i32
    %c0_i32_0 = arith.constant 0 : i32
    %c0_i32_1 = arith.constant 0 : i32
    return %c0_i32, %arg0, %c0_i32_0 : i32, i32, i32
  }
  func.func @transform_3(%arg0: i32) -> (i32, i32) {
    %c0_i32 = arith.constant 0 : i32
    %c0_i32_0 = arith.constant 0 : i32
    %c0_i32_1 = arith.constant 0 : i32
    return %c0_i32, %c0_i32_0 : i32, i32
  }
  func.func @transform_4(%arg0: i32) -> (i32, i32) {
    %c0_i32 = arith.constant 0 : i32
    %c0_i32_0 = arith.constant 0 : i32
    %c0_i32_1 = arith.constant 0 : i32
    return %c0_i32, %c0_i32_0 : i32, i32
  }
  func.func @transform_5(%arg0: i32) -> (i32, i32) {
    %c0_i32 = arith.constant 0 : i32
    %c0_i32_0 = arith.constant 0 : i32
    %c0_i32_1 = arith.constant 0 : i32
    return %c0_i32, %c0_i32_0 : i32, i32
  }
  func.func @transform_6(%arg0: i32) -> (i32, i32) {
    %c0_i32 = arith.constant 0 : i32
    %c0_i32_0 = arith.constant 0 : i32
    return %arg0, %c0_i32 : i32, i32
  }
  func.func @transform_7(%arg0: i32) -> (i32, i32) {
    %c0_i32 = arith.constant 0 : i32
    %c0_i32_0 = arith.constant 0 : i32
    return %arg0, %c0_i32 : i32, i32
  }
}

</mosaic_0001>

<sc_bundles>
// kernel: kernel.11.cloned.1.call-start
scs
__scs_entry_jumppad:
0x0: {  	(pc) =	sbr.rel $0x88, $3  }
0x1: {  	(tag) =	ssettag $0x0;
	lr =	simm.s32 $0x1  }
0x2: {  	[smem:$0x3F9B] =	sst lr;
	_ =	strace $0xD0000000  }
0x3: {  	_ = 	snop  }
0x4: {  	_ = 	snop  }
0x5: {  	_ = 	snop  }
0x6: {  	_ = 	snop  }
0x7: {  	_ = 	snop  }
__scs_overlays_trampoline_lowered:
0x8: {  	[smem:$0x3FAA] =	sst s0  }
0x9: {  	[smem:$0x3FAB] =	sst s1  }
0xa: {  	[smem:$0x3FAC] =	sst s2  }
0xb: {  	[smem:$0x3FAD] =	sst s3  }
0xc: {  	[smem:$0x3FAE] =	sst s4  }
0xd: {  	[smem:$0x3FAF] =	sst s5  }
0xe: {  	[smem:$0x3FB0] =	sst s6  }
0xf: {  	[smem:$0x3FB1] =	sst s7  }
0x10: {  	[smem:$0x3FB2] =	sst s8  }
0x11: {  	[smem:$0x3FB3] =	sst s9;
	s0 =	simm.s32 @!p0 $0x0  }
0x12: {  	s1 =	sld [smem:$0x3F99];
	s0 =	simm.s32 @p0 $0x1  }
0x13: {  	[smem:$0x3FB4] =	sst s0;
	s0 =	simm.s32 @!p1 $0x0  }
0x14: {  	s2 =	sld [smem:$0x3F98];
	s0 =	simm.s32 @p1 $0x1  }
0x15: {  	[smem:$0x3FB5] =	sst s0;
	s0 =	simm.s32 @!p2 $0x0  }
0x16: {  	s3 =	sld [smem:$0x3FDB];
	s0 =	simm.s32 @p2 $0x1  }
0x17: {  	s4 =	simm.s32 $0x1BF5;
	[smem:$0x3FB7] =	sst s0  }
0x18: {  	s0 =	sld [smem:$0x3F9A];
	_ =	swait.ge [sflag:s4], $0x0  }
0x19: {  	s7 =	sld [smem:$0x3F9B]  }
0x1a: {  	s8 =	sadd.s32 $0xFFFFE003, lr  }
0x1b: {  	s9 =	sadd.s32 $0xFFFFFEF7, lr;
	s5 =	simm.s32 $0xFFFFFFFF;
	p2 =	slt.u32 s8, $0xFFFFF086  }
0x1c: {  	p1 =	slt.u32 s9, $0xF7A;
	s5 =	simm.s32 @!p2 $0x0  }
0x1d: {  	s5 =	simm.s32 @p1 $0x1;
	p0 =	seq.s32 s7, s2  }
0x1e: {  	s7 =	smul.u32 @!p0 $0xF7A, s2;
	p2 =	seq.s32 @!p0 s5, $0x0  }
0x1f: {  	s9 =	smul.u32 $0xF7A, s1;
	s8 =	simm.s32 @!p0 $0x1BF5;
	p2 =	por !p2, p0  }
0x20: {  	[sflag:s8] =	ssyncset.s32 @!p0 $0xFFFFF086;
	s6 =	sadd.s32 @!p0 s3, s7;
	s7 =	simm.s32 @!p0 $0x108  }
0x21: {  	s3 =	sadd.s32 s3, s9;
	s6 =	sadd.s32 @!p0 $0x88, s6;
	s7 =	simm.s32 @p2 $0x1082  }
0x22: {  	[simem:s7], [sflag:s8] =	dma.local @!p0 [hbm:s6], $0xF7A  }
0x23: {  	s9 =	sor.u32 $0xD0000000, s2;
	s6 =	simm.s32 $0x108;
	_ =	swait.ge @!p0 [sflag:s8], $0x0  }
0x24: {  	s3 =	sadd.s32 $0x88, s3;
	s6 =	simm.s32 @!p1 $0x1082;
	[sflag:s4] =	ssyncset.s32 $0xFFFFF086  }
0x25: {  	[simem:s6], [sflag:s4] =	dma.local [hbm:s3], $0xF7A  }
0x26: {  	[smem:$0x3F9B] =	sst s1;
	(tag) =	ssettag s2;
	_ =	strace s9  }
0x27: {  	s1 =	sld [smem:$0x3FAB]  }
0x28: {  	s2 =	sld [smem:$0x3FAC]  }
0x29: {  	s4 =	sld [smem:$0x3FAE]  }
0x2a: {  	p0 =	seq.s32 s5, $0x0;
	s5 =	sld [smem:$0x3FAF]  }
0x2b: {  	s6 =	sld [smem:$0x3FB0]  }
0x2c: {  	s7 =	sld [smem:$0x3FB1]  }
0x2d: {  	s3 =	simm.s32 $0x108;
	s8 =	sld [smem:$0x3FB2]  }
0x2e: {  	s3 =	simm.s32 @!p0 $0x1082;
	s9 =	sld [smem:$0x3FB3]  }
0x2f: {  	lr =	sadd.s32 s0, s3;
	s0 =	sld [smem:$0x3FAA]  }
0x30: {  	s3 =	sld [smem:$0x3FAD]  }
0x31: {  	[smem:$0x3FB6] =	sst s10  }
0x32: {  	s10 =	sld [smem:$0x3FB4];
	_ =	sdelay $0x3  }
0x33: {  	p0 =	seq.s32 s10, $0x1;
	s10 =	sld [smem:$0x3FB6];
	_ =	sdelay $0x3  }
0x34: {  	[smem:$0x3FB6] =	sst s10  }
0x35: {  	s10 =	sld [smem:$0x3FB5];
	_ =	sdelay $0x3  }
0x36: {  	p1 =	seq.s32 s10, $0x1;
	s10 =	sld [smem:$0x3FB6];
	_ =	sdelay $0x3  }
0x37: {  	[smem:$0x3FB6] =	sst s10  }
0x38: {  	s10 =	sld [smem:$0x3FB7]  }
0x39: {  	_ = 	snop;
	(pc) =	sbr.ind lr, $3  }
0x3a: {  	_ = 	snop  }
0x3b: {  	_ = 	snop  }
0x3c: {  	p2 =	seq.s32 s10, $0x1;
	s10 =	sld [smem:$0x3FB6]  }
0x3d: {  	_ =	shalt  }
0x3e: {  	_ =	shalt  }
0x3f: {  	_ =	shalt  }
0x40: {  	_ =	shalt  }
0x41: {  	_ =	shalt  }
0x42: {  	_ =	shalt  }
0x43: {  	_ =	shalt  }
0x44: {  	_ =	shalt  }
0x45: {  	_ =	shalt  }
0x46: {  	_ =	shalt  }
0x47: {  	_ =	shalt  }
0x48: {  	_ =	shalt  }
0x49: {  	_ =	shalt  }
0x4a: {  	_ =	shalt  }
0x4b: {  	_ =	shalt  }
0x4c: {  	_ =	shalt  }
0x4d: {  	_ =	shalt  }
0x4e: {  	_ =	shalt  }
0x4f: {  	_ =	shalt  }
0x50: {  	_ =	shalt  }
0x51: {  	_ =	shalt  }
0x52: {  	_ =	shalt  }
0x53: {  	_ =	shalt  }
0x54: {  	_ =	shalt  }
0x55: {  	_ =	shalt  }
0x56: {  	_ =	shalt  }
0x57: {  	_ =	shalt  }
0x58: {  	_ =	shalt  }
0x59: {  	_ =	shalt  }
0x5a: {  	_ =	shalt  }
0x5b: {  	_ =	shalt  }
0x5c: {  	_ =	shalt  }
0x5d: {  	_ =	shalt  }
0x5e: {  	_ =	shalt  }
0x5f: {  	_ =	shalt  }
0x60: {  	_ =	shalt  }
0x61: {  	_ =	shalt  }
0x62: {  	_ =	shalt  }
0x63: {  	_ =	shalt  }
0x64: {  	_ =	shalt  }
0x65: {  	_ =	shalt  }
0x66: {  	_ =	shalt  }
0x67: {  	_ =	shalt  }
0x68: {  	_ =	shalt  }
0x69: {  	_ =	shalt  }
0x6a: {  	_ =	shalt  }
0x6b: {  	_ =	shalt  }
0x6c: {  	_ =	shalt  }
0x6d: {  	_ =	shalt  }
0x6e: {  	_ =	shalt  }
0x6f: {  	_ =	shalt  }
0x70: {  	_ =	shalt  }
0x71: {  	_ =	shalt  }
0x72: {  	_ =	shalt  }
0x73: {  	_ =	shalt  }
0x74: {  	_ =	shalt  }
0x75: {  	_ =	shalt  }
0x76: {  	_ =	shalt  }
0x77: {  	_ =	shalt  }
0x78: {  	_ =	shalt  }
0x79: {  	_ =	shalt  }
0x7a: {  	_ =	shalt  }
0x7b: {  	_ =	shalt  }
0x7c: {  	_ =	shalt  }
0x7d: {  	_ =	shalt  }
0x7e: {  	_ =	shalt  }
0x7f: {  	_ =	shalt  }
0x80: {  	_ =	shalt  }
0x81: {  	_ =	shalt  }
0x82: {  	_ =	shalt  }
0x83: {  	_ =	shalt  }
0x84: {  	_ =	shalt  }
0x85: {  	_ =	shalt  }
0x86: {  	_ =	shalt  }
0x87: {  	_ =	shalt  }
.Lfunc_end0:
.L_simem_size_0:
called_computation.1_lowered:
.L_overlay_start_0:
0x88: {  	s2 =	sld [smem:$0x3FD9]  }
0x89: {  	s3 =	sld [smem:$0x3FFE];
	_ =	sdelay $0x1  }
0x8a: {  	s1 =	srdreg.scid  }
0x8b: {  	s0 =	sand.u32 $0x1, s1  }
0x8c: {  	s14 =	sshll.u32 s0, $0xA;
	s2 =	sadd.s32 s3, s2  }
0x8d: {  	s2 =	sadd.s32 s2, s14  }
0x8e: {  	[smem:$0x3FC2] =	sst s2  }
0x8f: {  	_ = 	snop  }
0x90: {  	s2 =	sld [smem:$0x3FD0];
	_ =	sdelay $0x2  }
0x91: {  	s15 =	simm.s32 $0xA;
	s4 =	simm.s32 $0x10  }
0x92: {  	[smem:s4], [sflag:s15] =	dma.local [hbm:s2], $0x1  }
0x93: {  	_ =	swait.eq [sflag:s15], $0x1  }
0x94: {  	[sflag:s15] =	ssyncset.done $0x0  }
0x95: {  	s16 =	sld [smem:$0x10];
	[sflag:s15] =	ssyncadd.s32 $0xFFFFFFFF  }
0x96: {  	s17 =	sld [smem:$0x11];
	(tm) =	ssettm $0x1  }
0x97: {  	s18 =	sld [smem:$0x3FFB];
	_ =	sdelay $0x3  }
0x98: {  	_ =	strace s18  }
0x99: {  	s4 =	sld [smem:$0x3FFC];
	_ =	sdelay $0x3  }
0x9a: {  	_ =	strace s4  }
0x9b: {  	s4 =	sld [smem:$0x3FFD];
	_ =	sdelay $0x3  }
0x9c: {  	_ =	strace s4  }
0x9d: {  	_ =	strace $0x8FFFFFFF  }
0x9e: {  	s19 =	sld [smem:$0x3FDB];
	_ =	sdelay $0x1  }
0x9f: {  	s5 =	simm.s32 $_scs_section_size  }
0xa0: {  	s6 =	simm.s32 $_size__tile_overlayer_lowered;
	s7 =	simm.s32 $_tile_overlayer_lowered  }
0xa1: {  	s22 =	simm.s32 $0x1BFF;
	s21 =	sshll.u32 s7, $0x1;
	s4 =	sadd.s32 s5, s19  }
0xa2: {  	s8 =	simm.s32 $0x0;
	s20 =	sshll.u32 s6, $0x1;
	s6 =	sadd.s32 s21, s4  }
0xa3: {  	[timem:s8], [sflag:s22] =	dma.local [hbm:s6], s20  }
0xa4: {  	_ =	swait.ge [sflag:s22], s20  }
0xa5: {  	s5 =	ssub.s32 $0x0, s20;
	[sflag:s22] =	ssyncset.done $0x0  }
0xa6: {  	[sflag:s22] =	ssyncadd.s32 s5;
	_ =	sdelay $0x1  }
0xa7: {  	s23 =	simm.s32 $0x1B8B  }
0xa8: {  	_ =	swait.ge [sflag:s23], $0x1  }
0xa9: {  	[sflag:s23] =	ssyncset.done $0x0  }
0xaa: {  	s25 =	simm.s32 $0x1B8E;
	s24 =	sld [smem:$0x3FFE];
	[sflag:s23] =	ssyncadd.s32 $0xFFFFFFFF  }
0xab: {  	s26 =	simm.s32 $execute0_lowered;
	[smem:$0x3FD2] =	sst s25  }
0xac: {  	s6 =	sshll.u32 s26, $0x1;
	_ =	strace $0x80000049;
	[dreg:$0x1] =	wrdreg $0xFFFFFFFF  }
0xad: {  	s28 =	simm.s32 $_size_execute0_lowered;
	s4 =	sadd.s32 s4, s6;
	[dreg:$0x0] =	wrdreg $0x0  }
0xae: {  	s6 =	sshll.u32 s28, $0x1;
	[dreg:$0x2] =	wrdreg s4  }
0xaf: {  	[dreg:$0x3] =	wrdreg s6  }
0xb0: {  	[dreg:$0x4] =	wrdreg $0xC0  }
0xb1: {  	_ =	task [dreg:s8], $0x5FFFF  }
0xb2: {  	[dreg:$0x1] =	wrdreg $0xFFFFFFFF  }
0xb3: {  	[dreg:$0x0] =	wrdreg $0x60  }
0xb4: {  	[dreg:$0x2] =	wrdreg s24  }
0xb5: {  	[dreg:$0x3] =	wrdreg s17  }
0xb6: {  	[dreg:$0x4] =	wrdreg s16  }
0xb7: {  	[dreg:$0x5] =	wrdreg $0xB0000  }
0xb8: {  	[dreg:$0x6] =	wrdreg $0x9  }
0xb9: {  	_ =	task.clear_ibuf [dreg:s8], $0x7FFFF;
	_ =	strace $0x90000049  }
0xba: {  	s29 =	simm.s32 $0x9;
	_ =	strace $0x8000004B  }
0xbb: {  	_ =	swait.ge [sflag:s29], $0x1  }
0xbc: {  	[sflag:s29] =	ssyncadd.s32 $0xFFFFFFFF  }
0xbd: {  	_ =	strace $0x9000004B  }
0xbe: {  	_ =	sfence  }
0xbf: {  	s30 =	sld [smem:$0x0];
	_ =	sdelay $0x2  }
0xc0: {  	s31 =	sshll.u32 s1, $0xD;
	s1 =	sshrl.u32 s1, $0x2  }
0xc1: {  	s3 =	sand.u32 $0x4000, s31;
	s1 =	sadd.s32 s1, s30  }
0xc2: {  	s0 =	sor.u32 s3, s0;
	s1 =	sshll.u32 s1, $0x11  }
0xc3: {  	s0 =	sor.u32 s1, s0  }
0xc4: {  	s0 =	sadd.s32 $0x8F2B, s0  }
0xc5: {  	[sflag:s0] =	ssyncadd.remote.s32 $0x1  }
0xc6: {  	_ =	sfence.sel $0xFFFF  }
0xc7: {  	[dreg:$0x0] =	wrdreg $0xFFFFFFFF;
	(pc) =	sbr.abs _section_cstart, $3  }
0xc8: {  	[dreg:$0x1] =	wrdreg $0xFFFFFFFF  }
0xc9: {  	_ =	task.clear_ibuf [dreg:s8], $0x2FFFF;
	_ =	strace $0x9FFFFFFF  }
0xca: {  	(tm) =	ssettm $0x7FFFFFFF  }
0xcb: {  	_ =	shalt  }
tec
execute0_lowered:
.L_overlay_start_1:
0x0: {  	(tag) =	ssettag $0x1  }
0x1: {  	s5 =	rddreg [dreg:$0x0]  }
0x2: {  	s6 =	rddreg [dreg:$0x1]  }
0x3: {  	s7 =	rddreg [dreg:$0x2]  }
0x4: {  	s1 =	rddreg [dreg:$0x3]  }
0x5: {  	s2 =	srdreg.scid;
	s0 =	rddreg [dreg:$0x4];
	s3 =	simm.s32 $0x0  }
0x6: {  	s19 =	simm.s32 $0x2;
	s20 =	simm.s32 $0x2800;
	s21 =	simm.s32 $0x9000  }
0x7: {  	s22 =	simm.s32 $0x80;
	s23 =	simm.s32 $0x5000;
	s24 =	simm.s32 $0x1  }
0x8: {  	s25 =	simm.s32 $0x0;
	s8 =	sand.u32 $0x1, s2;
	s2 =	stileid.u32  }
0x9: {  	[smem:$0x7FF] =	sst s3;
	s4 =	sadd.s32 $0x52200, s5;
	s9 =	smul.u32 $0x140000, s8  }
0xa: {  	s10 =	smul.u32 $0x14000, s2;
	_ =	strace $0x8000004A;
	s30 =	sshll.u32 s2, $0x1  }
0xb: {  	s11 =	ssub.s32 $0x2, s8;
	s31 =	smul.u32 $0x50000, s2;
	s8 =	sor.u32 s8, s30  }
0xc: {  	s12 =	sshrl.u32 s11, $0x1;
	s9 =	sadd.s32 s10, s9;
	s8 =	smul.u32 $0x500, s8  }
0xd: {  	s11 =	ssub.s32 s11, s12;
	s10 =	sshrl.u32 s31, $0x2;
	s9 =	sshrl.u32 s9, $0x3  }
0xe: {  	s9 =	sadd.s32 s9, s5;
	s5 =	sadd.s32 s6, s8;
	s6 =	sadd.s32 s7, s8  }
0xf: {  	s7 =	sadd.s32 s10, s1;
	s8 =	sadd.s32 $0x7A200, s9;
	s9 =	smax.u32 s11, $0x1  }
0x10: {  	s10 =	sadd.s32 $0x2000, s7;
	s11 =	sadd.s32 $0x4000, s7;
	s12 =	sadd.s32 $0x6000, s7  }
0x11: {  	s13 =	sadd.s32 $0x8000, s7;
	s14 =	sadd.s32 $0xA000, s7;
	s15 =	sadd.s32 $0xC000, s7  }
0x12: {  	v0 =	vimm.f32 $0.0e+00;
	s16 =	sadd.s32 $0xE000, s7;
	s17 =	sadd.s32 $0x10000, s7;
	s18 =	sadd.s32 $0x12000, s7  }
.LBB2_1:
0x13: {  	[tilespmem:s3], [sflag:$0x2] =	stream.linear.gather [hbm4b:s5+s3], $0x2780, $0x38;
	[tilespmem:$0x1F000] =	vst v63  }
0x14: {  	_ =	swait.ge [sflag:s19], $0x2780  }
0x15: {  	[sflag:s19] =	ssyncset.done $0x0  }
0x16: {  	[sflag:s19] =	ssyncadd.s32 $0xFFFFD880  }
0x17: {  	[tilespmem:s20], [sflag:$0x2] =	stream.linear.gather [hbm4b:s6+s3], $0x2780, $0x38;
	[tilespmem:$0x1F000] =	vst v63  }
0x18: {  	s26 =	sand.u32 $0x7E00, s3;
	s28 =	sand.u32 $0x70, s3;
	_ =	swait.ge [sflag:s19], $0x2780  }
0x19: {  	s29 =	sshrl.u32 s26, $0x2;
	s26 =	simm.s32 $0x40;
	[sflag:s19] =	ssyncset.done $0x0  }
0x1a: {  	s29 =	sor.u32 s28, s29;
	s28 =	simm.s32 $0x0;
	[sflag:s19] =	ssyncadd.s32 $0xFFFFD880  }
.LBB2_2:
0x1b: {  	p0 =	sne.s32 s26, $0x7FC0  }
0x1c: {  	[tilespmem:s29+$0x9000] =	vst v0;
	s28 =	sadd.s32 $0x10, s28;
	s29 =	smov.u32 s26;
	s26 =	sadd.s32 $0x40, s26  }
.Ltmp0:
0x1d: {  	(pc) =	sbr.rel @p0 .LBB2_2-.Ltmp0, $4  }
0x1e: {  	_ = 	snop  }
0x1f: {  	s29 =	sand.u32 $0x7E00, s29  }
0x20: {  	s30 =	sand.u32 $0x70, s28;
	s29 =	sshrl.u32 s29, $0x2  }
0x21: {  	s29 =	sor.u32 s30, s29  }
0x22: {  	[tilespmem:s29+$0x9000] =	vst v0  }
0x23: {  	[spmem:s7] =	stream.linear.scatter [tilespmem:s21], [sflag:$0x2], $0x2000, $0x38;
	[tilespmem:$0x1F000] =	vst v63  }
0x24: {  	_ =	swait.ge [sflag:s19], $0x2000  }
0x25: {  	[sflag:s19] =	ssyncset.done $0x0  }
0x26: {  	[sflag:s19] =	ssyncadd.s32 $0xFFFFE000  }
0x27: {  	[spmem:s10] =	stream.linear.scatter [tilespmem:s21], [sflag:$0x2], $0x2000, $0x38;
	[tilespmem:$0x1F000] =	vst v63  }
0x28: {  	_ =	swait.ge [sflag:s19], $0x2000  }
0x29: {  	[sflag:s19] =	ssyncset.done $0x0  }
0x2a: {  	[sflag:s19] =	ssyncadd.s32 $0xFFFFE000  }
0x2b: {  	[spmem:s11] =	stream.linear.scatter [tilespmem:s21], [sflag:$0x2], $0x2000, $0x38;
	[tilespmem:$0x1F000] =	vst v63  }
0x2c: {  	_ =	swait.ge [sflag:s19], $0x2000  }
0x2d: {  	[sflag:s19] =	ssyncset.done $0x0  }
0x2e: {  	[sflag:s19] =	ssyncadd.s32 $0xFFFFE000  }
0x2f: {  	[spmem:s12] =	stream.linear.scatter [tilespmem:s21], [sflag:$0x2], $0x2000, $0x38;
	[tilespmem:$0x1F000] =	vst v63  }
0x30: {  	_ =	swait.ge [sflag:s19], $0x2000  }
0x31: {  	[sflag:s19] =	ssyncset.done $0x0  }
0x32: {  	[sflag:s19] =	ssyncadd.s32 $0xFFFFE000  }
0x33: {  	[spmem:s13] =	stream.linear.scatter [tilespmem:s21], [sflag:$0x2], $0x2000, $0x38;
	[tilespmem:$0x1F000] =	vst v63  }
0x34: {  	_ =	swait.ge [sflag:s19], $0x2000  }
0x35: {  	[sflag:s19] =	ssyncset.done $0x0  }
0x36: {  	[sflag:s19] =	ssyncadd.s32 $0xFFFFE000  }
0x37: {  	[spmem:s14] =	stream.linear.scatter [tilespmem:s21], [sflag:$0x2], $0x2000, $0x38;
	[tilespmem:$0x1F000] =	vst v63  }
0x38: {  	_ =	swait.ge [sflag:s19], $0x2000  }
0x39: {  	[sflag:s19] =	ssyncset.done $0x0  }
0x3a: {  	[sflag:s19] =	ssyncadd.s32 $0xFFFFE000  }
0x3b: {  	[spmem:s15] =	stream.linear.scatter [tilespmem:s21], [sflag:$0x2], $0x2000, $0x38;
	[tilespmem:$0x1F000] =	vst v63  }
0x3c: {  	_ =	swait.ge [sflag:s19], $0x2000  }
0x3d: {  	[sflag:s19] =	ssyncset.done $0x0  }
0x3e: {  	[sflag:s19] =	ssyncadd.s32 $0xFFFFE000  }
0x3f: {  	[spmem:s16] =	stream.linear.scatter [tilespmem:s21], [sflag:$0x2], $0x2000, $0x38;
	[tilespmem:$0x1F000] =	vst v63  }
0x40: {  	_ =	swait.ge [sflag:s19], $0x2000  }
0x41: {  	[sflag:s19] =	ssyncset.done $0x0  }
0x42: {  	[sflag:s19] =	ssyncadd.s32 $0xFFFFE000  }
0x43: {  	[spmem:s17] =	stream.linear.scatter [tilespmem:s21], [sflag:$0x2], $0x2000, $0x38;
	[tilespmem:$0x1F000] =	vst v63  }
0x44: {  	_ =	swait.ge [sflag:s19], $0x2000  }
0x45: {  	[sflag:s19] =	ssyncset.done $0x0  }
0x46: {  	[sflag:s19] =	ssyncadd.s32 $0xFFFFE000  }
0x47: {  	[spmem:s18] =	stream.linear.scatter [tilespmem:s21], [sflag:$0x2], $0x2000, $0x38;
	[tilespmem:$0x1F000] =	vst v63  }
0x48: {  	_ =	swait.ge [sflag:s19], $0x2000  }
0x49: {  	[sflag:s19] =	ssyncset.done $0x0  }
0x4a: {  	[sflag:s19] =	ssyncadd.s32 $0xFFFFE000  }
0x4b: {  	s26 =	simm.s32 $0x0;
	[bflag:$0x0] =	sbarrier.arrive $0xFFFF  }
0x4c: {  	[tilespmem:s23], [sflag:$0x1] =	stream.indirect.gather [hbm4b:s4+s22], $0x80, s26, s22, $0xb8;
	[tilespmem:$0x1F000] =	vst v63  }
0x4d: {  	_ =	swait.ge [sflag:s24], $0x4000  }
0x4e: {  	[sflag:s24] =	ssyncset.done $0x0  }
0x4f: {  	s31 =	simm.s32 $0x2800;
	[sflag:s24] =	ssyncadd.s32 $0xFFFFC000  }
0x50: {  	[spmem:s1] =	stream.indirect.scatter.add.f32 [tilespmem:s23], [sflag:$0x2], $0x80, s31, s22, $0xb8;
	[tilespmem:$0x1F000] =	vst v63  }
0x51: {  	_ =	swait.ge [sflag:s19], $0x4000  }
0x52: {  	s28 =	simm.s32 $0x400;
	s26 =	simm.s32 $0x200;
	[sflag:s19] =	ssyncset.done $0x0  }
.LBB2_4:
0x53: {  	s29 =	sshra.s32 s26, $0x2  }
0x54: {  	[sflag:s19] =	ssyncadd.s32 $0xFFFFC000;
	s26 =	smov.u32 s28;
	s30 =	sadd.s32 $0x200, s28  }
0x55: {  	[tilespmem:s23], [sflag:$0x1] =	stream.indirect.gather [hbm4b:s4+s22], $0x80, s29, s22, $0xb8;
	[tilespmem:$0x1F000] =	vst v63  }
0x56: {  	p0 =	sne.s32 s28, $0x9C00;
	_ =	swait.ge [sflag:s24], $0x4000  }
.Ltmp1:
0x57: {  	[sflag:s24] =	ssyncset.done $0x0;
	(pc) =	sbr.rel @p0 .LBB2_4-.Ltmp1, $4  }
0x58: {  	s28 =	sadd.s32 $0x2800, s29;
	[sflag:s24] =	ssyncadd.s32 $0xFFFFC000  }
0x59: {  	[spmem:s1] =	stream.indirect.scatter.add.f32 [tilespmem:s23], [sflag:$0x2], $0x80, s28, s22, $0xb8;
	[tilespmem:$0x1F000] =	vst v63  }
0x5a: {  	_ =	swait.ge [sflag:s19], $0x4000  }
0x5b: {  	s28 =	smov.u32 s30;
	[sflag:s19] =	ssyncset.done $0x0  }
0x5c: {  	s26 =	sshra.s32 s26, $0x2;
	[sflag:s19] =	ssyncadd.s32 $0xFFFFC000  }
0x5d: {  	[tilespmem:s23], [sflag:$0x1] =	stream.indirect.gather [hbm4b:s4+s22], $0x80, s26, s22, $0xb8;
	[tilespmem:$0x1F000] =	vst v63  }
0x5e: {  	_ =	swait.ge [sflag:s24], $0x4000  }
0x5f: {  	[sflag:s24] =	ssyncset.done $0x0  }
0x60: {  	s26 =	sadd.s32 $0x2800, s26;
	[sflag:s24] =	ssyncadd.s32 $0xFFFFC000  }
0x61: {  	[spmem:s1] =	stream.indirect.scatter.add.f32 [tilespmem:s23], [sflag:$0x2], $0x80, s26, s22, $0xb8;
	[tilespmem:$0x1F000] =	vst v63  }
0x62: {  	_ =	swait.ge [sflag:s19], $0x4000  }
0x63: {  	s31 =	sshll.u32 s2, $0x6;
	s25 =	sadd.s32 $0x1, s25;
	[sflag:s19] =	ssyncset.done $0x0  }
0x64: {  	s28 =	sshrl.u32 s7, $0x3;
	p0 =	sne.s32 s25, s9;
	[sflag:s19] =	ssyncadd.s32 $0xFFFFC000  }
.Ltmp2:
0x65: {  	s26 =	sor.u32 $0x1C02, s31;
	[bflag:$0x0] =	sbarrier.arrive $0xFFFF;
	(pc) =	sbr.rel @p0 .LBB2_1-.Ltmp2, $4  }
0x66: {  	[hbm:s8], [sflag:s26] =	dma.local [spmem:s28], $0x2800  }
0x67: {  	_ =	swait.ge [sflag:s19], $0x2800  }
0x68: {  	[sflag:s19] =	ssyncset.done $0x0  }
0x69: {  	[sflag:s19] =	ssyncadd.s32 $0xFFFFD800  }
0x6a: {  	_ =	sfence.sel $0x180000  }
0x6b: {  	[bflag:$0x0] =	sbarrier.arrive $0xFFFF  }
0x6c: {  	p0 =	sne.s32 s2, $0x0;
	_ =	strace $0x9000004A  }
0x6d: {  	s0 =	sadd.s32 @!p0 $0x100000, s0;
	[bflag:$0x2] =	sbarrier.arrive $0xFFFF  }
0x6e: {  	[sflag:s0] =	ssyncadd.tile.s32 @!p0 $0x1;
	_ =	shalt  }
.Lfunc_end2:
_tile_overlayer_lowered:
.L_overlay_start_2:
0x6f: {  	(tag) =	ssettag $0x2  }
0x70: {  	s0 =	rddreg [dreg:$0x0];
	s2 =	stileid.u32  }
0x71: {  	s1 =	rddreg [dreg:$0x1];
	p0 =	sne.s32 s2, $0x0  }
0x72: {  	s3 =	rddreg [dreg:$0x2];
	[bflag:$0x3] =	sbarrier.arrive $0xFFFF;
	s2 =	simm.s32 @!p0 $0x1C02  }
0x73: {  	[timem:s3], [sflag:s2] =	dma.local @!p0 [hbm:s0], s1  }
0x74: {  	s0 =	simm.s32 @!p0 $0x2  }
0x75: {  	_ =	swait.ge @!p0 [sflag:s0], s1  }
0x76: {  	s1 =	ssub.s32 @!p0 $0x0, s1;
	[sflag:s0] =	ssyncset.done @!p0 $0x0  }
0x77: {  	[sflag:s0] =	ssyncadd.s32 @!p0 s1  }
0x78: {  	[bflag:$0x3] =	sbarrier.arrive $0xFFFF  }
0x79: {  	_ =	shalt  }

// kernel: kernel.14.cloned.1.call-start
scs
__scs_entry_jumppad:
0x0: {  	(pc) =	sbr.rel $0x88, $3  }
0x1: {  	(tag) =	ssettag $0x0;
	lr =	simm.s32 $0x1  }
0x2: {  	[smem:$0x3F9B] =	sst lr;
	_ =	strace $0xD0000000  }
0x3: {  	_ = 	snop  }
0x4: {  	_ = 	snop  }
0x5: {  	_ = 	snop  }
0x6: {  	_ = 	snop  }
0x7: {  	_ = 	snop  }
__scs_overlays_trampoline_lowered:
0x8: {  	[smem:$0x3FAA] =	sst s0  }
0x9: {  	[smem:$0x3FAB] =	sst s1  }
0xa: {  	[smem:$0x3FAC] =	sst s2  }
0xb: {  	[smem:$0x3FAD] =	sst s3  }
0xc: {  	[smem:$0x3FAE] =	sst s4  }
0xd: {  	[smem:$0x3FAF] =	sst s5  }
0xe: {  	[smem:$0x3FB0] =	sst s6  }
0xf: {  	[smem:$0x3FB1] =	sst s7  }
0x10: {  	[smem:$0x3FB2] =	sst s8  }
0x11: {  	[smem:$0x3FB3] =	sst s9;
	s0 =	simm.s32 @!p0 $0x0  }
0x12: {  	s1 =	sld [smem:$0x3F99];
	s0 =	simm.s32 @p0 $0x1  }
0x13: {  	[smem:$0x3FB4] =	sst s0;
	s0 =	simm.s32 @!p1 $0x0  }
0x14: {  	s2 =	sld [smem:$0x3F98];
	s0 =	simm.s32 @p1 $0x1  }
0x15: {  	[smem:$0x3FB5] =	sst s0;
	s0 =	simm.s32 @!p2 $0x0  }
0x16: {  	s3 =	sld [smem:$0x3FDB];
	s0 =	simm.s32 @p2 $0x1  }
0x17: {  	s4 =	simm.s32 $0x1BF5;
	[smem:$0x3FB7] =	sst s0  }
0x18: {  	s0 =	sld [smem:$0x3F9A];
	_ =	swait.ge [sflag:s4], $0x0  }
0x19: {  	s7 =	sld [smem:$0x3F9B]  }
0x1a: {  	s8 =	sadd.s32 $0xFFFFE003, lr  }
0x1b: {  	s9 =	sadd.s32 $0xFFFFFEF7, lr;
	s5 =	simm.s32 $0xFFFFFFFF;
	p2 =	slt.u32 s8, $0xFFFFF086  }
0x1c: {  	p1 =	slt.u32 s9, $0xF7A;
	s5 =	simm.s32 @!p2 $0x0  }
0x1d: {  	s5 =	simm.s32 @p1 $0x1;
	p0 =	seq.s32 s7, s2  }
0x1e: {  	s7 =	smul.u32 @!p0 $0xF7A, s2;
	p2 =	seq.s32 @!p0 s5, $0x0  }
0x1f: {  	s9 =	smul.u32 $0xF7A, s1;
	s8 =	simm.s32 @!p0 $0x1BF5;
	p2 =	por !p2, p0  }
0x20: {  	[sflag:s8] =	ssyncset.s32 @!p0 $0xFFFFF086;
	s6 =	sadd.s32 @!p0 s3, s7;
	s7 =	simm.s32 @!p0 $0x108  }
0x21: {  	s3 =	sadd.s32 s3, s9;
	s6 =	sadd.s32 @!p0 $0x88, s6;
	s7 =	simm.s32 @p2 $0x1082  }
0x22: {  	[simem:s7], [sflag:s8] =	dma.local @!p0 [hbm:s6], $0xF7A  }
0x23: {  	s9 =	sor.u32 $0xD0000000, s2;
	s6 =	simm.s32 $0x108;
	_ =	swait.ge @!p0 [sflag:s8], $0x0  }
0x24: {  	s3 =	sadd.s32 $0x88, s3;
	s6 =	simm.s32 @!p1 $0x1082;
	[sflag:s4] =	ssyncset.s32 $0xFFFFF086  }
0x25: {  	[simem:s6], [sflag:s4] =	dma.local [hbm:s3], $0xF7A  }
0x26: {  	[smem:$0x3F9B] =	sst s1;
	(tag) =	ssettag s2;
	_ =	strace s9  }
0x27: {  	s1 =	sld [smem:$0x3FAB]  }
0x28: {  	s2 =	sld [smem:$0x3FAC]  }
0x29: {  	s4 =	sld [smem:$0x3FAE]  }
0x2a: {  	p0 =	seq.s32 s5, $0x0;
	s5 =	sld [smem:$0x3FAF]  }
0x2b: {  	s6 =	sld [smem:$0x3FB0]  }
0x2c: {  	s7 =	sld [smem:$0x3FB1]  }
0x2d: {  	s3 =	simm.s32 $0x108;
	s8 =	sld [smem:$0x3FB2]  }
0x2e: {  	s3 =	simm.s32 @!p0 $0x1082;
	s9 =	sld [smem:$0x3FB3]  }
0x2f: {  	lr =	sadd.s32 s0, s3;
	s0 =	sld [smem:$0x3FAA]  }
0x30: {  	s3 =	sld [smem:$0x3FAD]  }
0x31: {  	[smem:$0x3FB6] =	sst s10  }
0x32: {  	s10 =	sld [smem:$0x3FB4];
	_ =	sdelay $0x3  }
0x33: {  	p0 =	seq.s32 s10, $0x1;
	s10 =	sld [smem:$0x3FB6];
	_ =	sdelay $0x3  }
0x34: {  	[smem:$0x3FB6] =	sst s10  }
0x35: {  	s10 =	sld [smem:$0x3FB5];
	_ =	sdelay $0x3  }
0x36: {  	p1 =	seq.s32 s10, $0x1;
	s10 =	sld [smem:$0x3FB6];
	_ =	sdelay $0x3  }
0x37: {  	[smem:$0x3FB6] =	sst s10  }
0x38: {  	s10 =	sld [smem:$0x3FB7]  }
0x39: {  	_ = 	snop;
	(pc) =	sbr.ind lr, $3  }
0x3a: {  	_ = 	snop  }
0x3b: {  	_ = 	snop  }
0x3c: {  	p2 =	seq.s32 s10, $0x1;
	s10 =	sld [smem:$0x3FB6]  }
0x3d: {  	_ =	shalt  }
0x3e: {  	_ =	shalt  }
0x3f: {  	_ =	shalt  }
0x40: {  	_ =	shalt  }
0x41: {  	_ =	shalt  }
0x42: {  	_ =	shalt  }
0x43: {  	_ =	shalt  }
0x44: {  	_ =	shalt  }
0x45: {  	_ =	shalt  }
0x46: {  	_ =	shalt  }
0x47: {  	_ =	shalt  }
0x48: {  	_ =	shalt  }
0x49: {  	_ =	shalt  }
0x4a: {  	_ =	shalt  }
0x4b: {  	_ =	shalt  }
0x4c: {  	_ =	shalt  }
0x4d: {  	_ =	shalt  }
0x4e: {  	_ =	shalt  }
0x4f: {  	_ =	shalt  }
0x50: {  	_ =	shalt  }
0x51: {  	_ =	shalt  }
0x52: {  	_ =	shalt  }
0x53: {  	_ =	shalt  }
0x54: {  	_ =	shalt  }
0x55: {  	_ =	shalt  }
0x56: {  	_ =	shalt  }
0x57: {  	_ =	shalt  }
0x58: {  	_ =	shalt  }
0x59: {  	_ =	shalt  }
0x5a: {  	_ =	shalt  }
0x5b: {  	_ =	shalt  }
0x5c: {  	_ =	shalt  }
0x5d: {  	_ =	shalt  }
0x5e: {  	_ =	shalt  }
0x5f: {  	_ =	shalt  }
0x60: {  	_ =	shalt  }
0x61: {  	_ =	shalt  }
0x62: {  	_ =	shalt  }
0x63: {  	_ =	shalt  }
0x64: {  	_ =	shalt  }
0x65: {  	_ =	shalt  }
0x66: {  	_ =	shalt  }
0x67: {  	_ =	shalt  }
0x68: {  	_ =	shalt  }
0x69: {  	_ =	shalt  }
0x6a: {  	_ =	shalt  }
0x6b: {  	_ =	shalt  }
0x6c: {  	_ =	shalt  }
0x6d: {  	_ =	shalt  }
0x6e: {  	_ =	shalt  }
0x6f: {  	_ =	shalt  }
0x70: {  	_ =	shalt  }
0x71: {  	_ =	shalt  }
0x72: {  	_ =	shalt  }
0x73: {  	_ =	shalt  }
0x74: {  	_ =	shalt  }
0x75: {  	_ =	shalt  }
0x76: {  	_ =	shalt  }
0x77: {  	_ =	shalt  }
0x78: {  	_ =	shalt  }
0x79: {  	_ =	shalt  }
0x7a: {  	_ =	shalt  }
0x7b: {  	_ =	shalt  }
0x7c: {  	_ =	shalt  }
0x7d: {  	_ =	shalt  }
0x7e: {  	_ =	shalt  }
0x7f: {  	_ =	shalt  }
0x80: {  	_ =	shalt  }
0x81: {  	_ =	shalt  }
0x82: {  	_ =	shalt  }
0x83: {  	_ =	shalt  }
0x84: {  	_ =	shalt  }
0x85: {  	_ =	shalt  }
0x86: {  	_ =	shalt  }
0x87: {  	_ =	shalt  }
.Lfunc_end0:
.L_simem_size_0:
called_computation.2_lowered:
.L_overlay_start_0:
0x88: {  	s2 =	sld [smem:$0x3FD9]  }
0x89: {  	s3 =	sld [smem:$0x3FFE];
	_ =	sdelay $0x1  }
0x8a: {  	s1 =	srdreg.scid  }
0x8b: {  	s0 =	sand.u32 $0x1, s1  }
0x8c: {  	s14 =	sshll.u32 s0, $0xA;
	s2 =	sadd.s32 s3, s2  }
0x8d: {  	s2 =	sadd.s32 s2, s14  }
0x8e: {  	[smem:$0x3FC2] =	sst s2  }
0x8f: {  	_ = 	snop  }
0x90: {  	s2 =	sld [smem:$0x3FD0];
	_ =	sdelay $0x2  }
0x91: {  	s15 =	simm.s32 $0xA;
	s4 =	simm.s32 $0x10  }
0x92: {  	[smem:s4], [sflag:s15] =	dma.local [hbm:s2], $0x1  }
0x93: {  	_ =	swait.eq [sflag:s15], $0x1  }
0x94: {  	[sflag:s15] =	ssyncset.done $0x0  }
0x95: {  	s16 =	sld [smem:$0x10];
	[sflag:s15] =	ssyncadd.s32 $0xFFFFFFFF  }
0x96: {  	s17 =	sld [smem:$0x11];
	(tm) =	ssettm $0x1  }
0x97: {  	s18 =	sld [smem:$0x3FFB];
	_ =	sdelay $0x3  }
0x98: {  	_ =	strace s18  }
0x99: {  	s4 =	sld [smem:$0x3FFC];
	_ =	sdelay $0x3  }
0x9a: {  	_ =	strace s4  }
0x9b: {  	s4 =	sld [smem:$0x3FFD];
	_ =	sdelay $0x3  }
0x9c: {  	_ =	strace s4  }
0x9d: {  	_ =	strace $0x8FFFFFFF  }
0x9e: {  	s19 =	sld [smem:$0x3FDB];
	_ =	sdelay $0x1  }
0x9f: {  	s5 =	simm.s32 $_scs_section_size  }
0xa0: {  	s6 =	simm.s32 $_size__tile_overlayer_lowered;
	s7 =	simm.s32 $_tile_overlayer_lowered  }
0xa1: {  	s22 =	simm.s32 $0x1BFF;
	s21 =	sshll.u32 s7, $0x1;
	s4 =	sadd.s32 s5, s19  }
0xa2: {  	s8 =	simm.s32 $0x0;
	s20 =	sshll.u32 s6, $0x1;
	s6 =	sadd.s32 s21, s4  }
0xa3: {  	[timem:s8], [sflag:s22] =	dma.local [hbm:s6], s20  }
0xa4: {  	_ =	swait.ge [sflag:s22], s20  }
0xa5: {  	s5 =	ssub.s32 $0x0, s20;
	[sflag:s22] =	ssyncset.done $0x0  }
0xa6: {  	[sflag:s22] =	ssyncadd.s32 s5;
	_ =	sdelay $0x1  }
0xa7: {  	s23 =	simm.s32 $0x1B8B  }
0xa8: {  	_ =	swait.ge [sflag:s23], $0x1  }
0xa9: {  	[sflag:s23] =	ssyncset.done $0x0  }
0xaa: {  	s25 =	simm.s32 $0x1B8E;
	s24 =	sld [smem:$0x3FFE];
	[sflag:s23] =	ssyncadd.s32 $0xFFFFFFFF  }
0xab: {  	s26 =	simm.s32 $execute0_lowered;
	[smem:$0x3FD2] =	sst s25  }
0xac: {  	s6 =	sshll.u32 s26, $0x1;
	_ =	strace $0x8000004C;
	[dreg:$0x1] =	wrdreg $0xFFFFFFFF  }
0xad: {  	s28 =	simm.s32 $_size_execute0_lowered;
	s4 =	sadd.s32 s4, s6;
	[dreg:$0x0] =	wrdreg $0x0  }
0xae: {  	s6 =	sshll.u32 s28, $0x1;
	[dreg:$0x2] =	wrdreg s4  }
0xaf: {  	[dreg:$0x3] =	wrdreg s6  }
0xb0: {  	[dreg:$0x4] =	wrdreg $0xC0  }
0xb1: {  	_ =	task [dreg:s8], $0x5FFFF  }
0xb2: {  	[dreg:$0x1] =	wrdreg $0xFFFFFFFF  }
0xb3: {  	[dreg:$0x0] =	wrdreg $0x60  }
0xb4: {  	[dreg:$0x2] =	wrdreg s24  }
0xb5: {  	[dreg:$0x3] =	wrdreg s17  }
0xb6: {  	[dreg:$0x4] =	wrdreg s16  }
0xb7: {  	[dreg:$0x5] =	wrdreg $0xB0000  }
0xb8: {  	[dreg:$0x6] =	wrdreg $0x9  }
0xb9: {  	_ =	task.clear_ibuf [dreg:s8], $0x7FFFF;
	_ =	strace $0x9000004C  }
0xba: {  	s29 =	simm.s32 $0x9;
	_ =	strace $0x8000004E  }
0xbb: {  	_ =	swait.ge [sflag:s29], $0x1  }
0xbc: {  	[sflag:s29] =	ssyncadd.s32 $0xFFFFFFFF  }
0xbd: {  	_ =	strace $0x9000004E  }
0xbe: {  	_ =	sfence  }
0xbf: {  	s30 =	sld [smem:$0x0];
	_ =	sdelay $0x2  }
0xc0: {  	s31 =	sshll.u32 s1, $0xD;
	s1 =	sshrl.u32 s1, $0x2  }
0xc1: {  	s3 =	sand.u32 $0x4000, s31;
	s1 =	sadd.s32 s1, s30  }
0xc2: {  	s0 =	sor.u32 s3, s0;
	s1 =	sshll.u32 s1, $0x11  }
0xc3: {  	s0 =	sor.u32 s1, s0  }
0xc4: {  	s0 =	sadd.s32 $0x8F2B, s0  }
0xc5: {  	[sflag:s0] =	ssyncadd.remote.s32 $0x1  }
0xc6: {  	_ =	sfence.sel $0xFFFF  }
0xc7: {  	[dreg:$0x0] =	wrdreg $0xFFFFFFFF;
	(pc) =	sbr.abs _section_cstart, $3  }
0xc8: {  	[dreg:$0x1] =	wrdreg $0xFFFFFFFF  }
0xc9: {  	_ =	task.clear_ibuf [dreg:s8], $0x2FFFF;
	_ =	strace $0x9FFFFFFF  }
0xca: {  	(tm) =	ssettm $0x7FFFFFFF  }
0xcb: {  	_ =	shalt  }
tec
execute0_lowered:
.L_overlay_start_1:
0x0: {  	(tag) =	ssettag $0x1  }
0x1: {  	s5 =	rddreg [dreg:$0x0]  }
0x2: {  	s6 =	rddreg [dreg:$0x1]  }
0x3: {  	s7 =	rddreg [dreg:$0x2]  }
0x4: {  	s1 =	rddreg [dreg:$0x3]  }
0x5: {  	s2 =	srdreg.scid;
	s0 =	rddreg [dreg:$0x4];
	s3 =	simm.s32 $0x0  }
0x6: {  	s19 =	simm.s32 $0x2;
	s20 =	simm.s32 $0x2800;
	s21 =	simm.s32 $0x9000  }
0x7: {  	s22 =	simm.s32 $0x80;
	s23 =	simm.s32 $0x5000;
	s24 =	simm.s32 $0x1  }
0x8: {  	s25 =	simm.s32 $0x0;
	s8 =	sand.u32 $0x1, s2;
	s2 =	stileid.u32  }
0x9: {  	[smem:$0x7FF] =	sst s3;
	s4 =	sadd.s32 $0x52200, s5;
	s9 =	smul.u32 $0x140000, s8  }
0xa: {  	s10 =	smul.u32 $0x14000, s2;
	_ =	strace $0x8000004D;
	s30 =	sshll.u32 s2, $0x1  }
0xb: {  	s11 =	ssub.s32 $0x2, s8;
	s31 =	smul.u32 $0x50000, s2;
	s8 =	sor.u32 s8, s30  }
0xc: {  	s12 =	sshrl.u32 s11, $0x1;
	s9 =	sadd.s32 s10, s9;
	s8 =	smul.u32 $0x500, s8  }
0xd: {  	s11 =	ssub.s32 s11, s12;
	s10 =	sshrl.u32 s31, $0x2;
	s9 =	sshrl.u32 s9, $0x3  }
0xe: {  	s9 =	sadd.s32 s9, s5;
	s5 =	sadd.s32 s6, s8;
	s6 =	sadd.s32 s7, s8  }
0xf: {  	s7 =	sadd.s32 s10, s1;
	s8 =	sadd.s32 $0x7A200, s9;
	s9 =	smax.u32 s11, $0x1  }
0x10: {  	s10 =	sadd.s32 $0x2000, s7;
	s11 =	sadd.s32 $0x4000, s7;
	s12 =	sadd.s32 $0x6000, s7  }
0x11: {  	s13 =	sadd.s32 $0x8000, s7;
	s14 =	sadd.s32 $0xA000, s7;
	s15 =	sadd.s32 $0xC000, s7  }
0x12: {  	v0 =	vimm.f32 $0.0e+00;
	s16 =	sadd.s32 $0xE000, s7;
	s17 =	sadd.s32 $0x10000, s7;
	s18 =	sadd.s32 $0x12000, s7  }
.LBB2_1:
0x13: {  	[tilespmem:s3], [sflag:$0x2] =	stream.linear.gather [hbm4b:s5+s3], $0x2780, $0x38;
	[tilespmem:$0x1F000] =	vst v63  }
0x14: {  	_ =	swait.ge [sflag:s19], $0x2780  }
0x15: {  	[sflag:s19] =	ssyncset.done $0x0  }
0x16: {  	[sflag:s19] =	ssyncadd.s32 $0xFFFFD880  }
0x17: {  	[tilespmem:s20], [sflag:$0x2] =	stream.linear.gather [hbm4b:s6+s3], $0x2780, $0x38;
	[tilespmem:$0x1F000] =	vst v63  }
0x18: {  	s26 =	sand.u32 $0x7E00, s3;
	s28 =	sand.u32 $0x70, s3;
	_ =	swait.ge [sflag:s19], $0x2780  }
0x19: {  	s29 =	sshrl.u32 s26, $0x2;
	s26 =	simm.s32 $0x40;
	[sflag:s19] =	ssyncset.done $0x0  }
0x1a: {  	s29 =	sor.u32 s28, s29;
	s28 =	simm.s32 $0x0;
	[sflag:s19] =	ssyncadd.s32 $0xFFFFD880  }
.LBB2_2:
0x1b: {  	p0 =	sne.s32 s26, $0x7FC0  }
0x1c: {  	[tilespmem:s29+$0x9000] =	vst v0;
	s28 =	sadd.s32 $0x10, s28;
	s29 =	smov.u32 s26;
	s26 =	sadd.s32 $0x40, s26  }
.Ltmp0:
0x1d: {  	(pc) =	sbr.rel @p0 .LBB2_2-.Ltmp0, $4  }
0x1e: {  	_ = 	snop  }
0x1f: {  	s29 =	sand.u32 $0x7E00, s29  }
0x20: {  	s30 =	sand.u32 $0x70, s28;
	s29 =	sshrl.u32 s29, $0x2  }
0x21: {  	s29 =	sor.u32 s30, s29  }
0x22: {  	[tilespmem:s29+$0x9000] =	vst v0  }
0x23: {  	[spmem:s7] =	stream.linear.scatter [tilespmem:s21], [sflag:$0x2], $0x2000, $0x38;
	[tilespmem:$0x1F000] =	vst v63  }
0x24: {  	_ =	swait.ge [sflag:s19], $0x2000  }
0x25: {  	[sflag:s19] =	ssyncset.done $0x0  }
0x26: {  	[sflag:s19] =	ssyncadd.s32 $0xFFFFE000  }
0x27: {  	[spmem:s10] =	stream.linear.scatter [tilespmem:s21], [sflag:$0x2], $0x2000, $0x38;
	[tilespmem:$0x1F000] =	vst v63  }
0x28: {  	_ =	swait.ge [sflag:s19], $0x2000  }
0x29: {  	[sflag:s19] =	ssyncset.done $0x0  }
0x2a: {  	[sflag:s19] =	ssyncadd.s32 $0xFFFFE000  }
0x2b: {  	[spmem:s11] =	stream.linear.scatter [tilespmem:s21], [sflag:$0x2], $0x2000, $0x38;
	[tilespmem:$0x1F000] =	vst v63  }
0x2c: {  	_ =	swait.ge [sflag:s19], $0x2000  }
0x2d: {  	[sflag:s19] =	ssyncset.done $0x0  }
0x2e: {  	[sflag:s19] =	ssyncadd.s32 $0xFFFFE000  }
0x2f: {  	[spmem:s12] =	stream.linear.scatter [tilespmem:s21], [sflag:$0x2], $0x2000, $0x38;
	[tilespmem:$0x1F000] =	vst v63  }
0x30: {  	_ =	swait.ge [sflag:s19], $0x2000  }
0x31: {  	[sflag:s19] =	ssyncset.done $0x0  }
0x32: {  	[sflag:s19] =	ssyncadd.s32 $0xFFFFE000  }
0x33: {  	[spmem:s13] =	stream.linear.scatter [tilespmem:s21], [sflag:$0x2], $0x2000, $0x38;
	[tilespmem:$0x1F000] =	vst v63  }
0x34: {  	_ =	swait.ge [sflag:s19], $0x2000  }
0x35: {  	[sflag:s19] =	ssyncset.done $0x0  }
0x36: {  	[sflag:s19] =	ssyncadd.s32 $0xFFFFE000  }
0x37: {  	[spmem:s14] =	stream.linear.scatter [tilespmem:s21], [sflag:$0x2], $0x2000, $0x38;
	[tilespmem:$0x1F000] =	vst v63  }
0x38: {  	_ =	swait.ge [sflag:s19], $0x2000  }
0x39: {  	[sflag:s19] =	ssyncset.done $0x0  }
0x3a: {  	[sflag:s19] =	ssyncadd.s32 $0xFFFFE000  }
0x3b: {  	[spmem:s15] =	stream.linear.scatter [tilespmem:s21], [sflag:$0x2], $0x2000, $0x38;
	[tilespmem:$0x1F000] =	vst v63  }
0x3c: {  	_ =	swait.ge [sflag:s19], $0x2000  }
0x3d: {  	[sflag:s19] =	ssyncset.done $0x0  }
0x3e: {  	[sflag:s19] =	ssyncadd.s32 $0xFFFFE000  }
0x3f: {  	[spmem:s16] =	stream.linear.scatter [tilespmem:s21], [sflag:$0x2], $0x2000, $0x38;
	[tilespmem:$0x1F000] =	vst v63  }
0x40: {  	_ =	swait.ge [sflag:s19], $0x2000  }
0x41: {  	[sflag:s19] =	ssyncset.done $0x0  }
0x42: {  	[sflag:s19] =	ssyncadd.s32 $0xFFFFE000  }
0x43: {  	[spmem:s17] =	stream.linear.scatter [tilespmem:s21], [sflag:$0x2], $0x2000, $0x38;
	[tilespmem:$0x1F000] =	vst v63  }
0x44: {  	_ =	swait.ge [sflag:s19], $0x2000  }
0x45: {  	[sflag:s19] =	ssyncset.done $0x0  }
0x46: {  	[sflag:s19] =	ssyncadd.s32 $0xFFFFE000  }
0x47: {  	[spmem:s18] =	stream.linear.scatter [tilespmem:s21], [sflag:$0x2], $0x2000, $0x38;
	[tilespmem:$0x1F000] =	vst v63  }
0x48: {  	_ =	swait.ge [sflag:s19], $0x2000  }
0x49: {  	[sflag:s19] =	ssyncset.done $0x0  }
0x4a: {  	[sflag:s19] =	ssyncadd.s32 $0xFFFFE000  }
0x4b: {  	s26 =	simm.s32 $0x0;
	[bflag:$0x0] =	sbarrier.arrive $0xFFFF  }
0x4c: {  	[tilespmem:s23], [sflag:$0x1] =	stream.indirect.gather [hbm4b:s4+s22], $0x80, s26, s22, $0xb8;
	[tilespmem:$0x1F000] =	vst v63  }
0x4d: {  	_ =	swait.ge [sflag:s24], $0x4000  }
0x4e: {  	[sflag:s24] =	ssyncset.done $0x0  }
0x4f: {  	s31 =	simm.s32 $0x2800;
	[sflag:s24] =	ssyncadd.s32 $0xFFFFC000  }
0x50: {  	[spmem:s1] =	stream.indirect.scatter.add.f32 [tilespmem:s23], [sflag:$0x2], $0x80, s31, s22, $0xb8;
	[tilespmem:$0x1F000] =	vst v63  }
0x51: {  	_ =	swait.ge [sflag:s19], $0x4000  }
0x52: {  	s28 =	simm.s32 $0x400;
	s26 =	simm.s32 $0x200;
	[sflag:s19] =	ssyncset.done $0x0  }
.LBB2_4:
0x53: {  	s29 =	sshra.s32 s26, $0x2  }
0x54: {  	[sflag:s19] =	ssyncadd.s32 $0xFFFFC000;
	s26 =	smov.u32 s28;
	s30 =	sadd.s32 $0x200, s28  }
0x55: {  	[tilespmem:s23], [sflag:$0x1] =	stream.indirect.gather [hbm4b:s4+s22], $0x80, s29, s22, $0xb8;
	[tilespmem:$0x1F000] =	vst v63  }
0x56: {  	p0 =	sne.s32 s28, $0x9C00;
	_ =	swait.ge [sflag:s24], $0x4000  }
.Ltmp1:
0x57: {  	[sflag:s24] =	ssyncset.done $0x0;
	(pc) =	sbr.rel @p0 .LBB2_4-.Ltmp1, $4  }
0x58: {  	s28 =	sadd.s32 $0x2800, s29;
	[sflag:s24] =	ssyncadd.s32 $0xFFFFC000  }
0x59: {  	[spmem:s1] =	stream.indirect.scatter.add.f32 [tilespmem:s23], [sflag:$0x2], $0x80, s28, s22, $0xb8;
	[tilespmem:$0x1F000] =	vst v63  }
0x5a: {  	_ =	swait.ge [sflag:s19], $0x4000  }
0x5b: {  	s28 =	smov.u32 s30;
	[sflag:s19] =	ssyncset.done $0x0  }
0x5c: {  	s26 =	sshra.s32 s26, $0x2;
	[sflag:s19] =	ssyncadd.s32 $0xFFFFC000  }
0x5d: {  	[tilespmem:s23], [sflag:$0x1] =	stream.indirect.gather [hbm4b:s4+s22], $0x80, s26, s22, $0xb8;
	[tilespmem:$0x1F000] =	vst v63  }
0x5e: {  	_ =	swait.ge [sflag:s24], $0x4000  }
0x5f: {  	[sflag:s24] =	ssyncset.done $0x0  }
0x60: {  	s26 =	sadd.s32 $0x2800, s26;
	[sflag:s24] =	ssyncadd.s32 $0xFFFFC000  }
0x61: {  	[spmem:s1] =	stream.indirect.scatter.add.f32 [tilespmem:s23], [sflag:$0x2], $0x80, s26, s22, $0xb8;
	[tilespmem:$0x1F000] =	vst v63  }
0x62: {  	_ =	swait.ge [sflag:s19], $0x4000  }
0x63: {  	s31 =	sshll.u32 s2, $0x6;
	s25 =	sadd.s32 $0x1, s25;
	[sflag:s19] =	ssyncset.done $0x0  }
0x64: {  	s28 =	sshrl.u32 s7, $0x3;
	p0 =	sne.s32 s25, s9;
	[sflag:s19] =	ssyncadd.s32 $0xFFFFC000  }
.Ltmp2:
0x65: {  	s26 =	sor.u32 $0x1C02, s31;
	[bflag:$0x0] =	sbarrier.arrive $0xFFFF;
	(pc) =	sbr.rel @p0 .LBB2_1-.Ltmp2, $4  }
0x66: {  	[hbm:s8], [sflag:s26] =	dma.local [spmem:s28], $0x2800  }
0x67: {  	_ =	swait.ge [sflag:s19], $0x2800  }
0x68: {  	[sflag:s19] =	ssyncset.done $0x0  }
0x69: {  	[sflag:s19] =	ssyncadd.s32 $0xFFFFD800  }
0x6a: {  	_ =	sfence.sel $0x180000  }
0x6b: {  	[bflag:$0x0] =	sbarrier.arrive $0xFFFF  }
0x6c: {  	p0 =	sne.s32 s2, $0x0;
	_ =	strace $0x9000004D  }
0x6d: {  	s0 =	sadd.s32 @!p0 $0x100000, s0;
	[bflag:$0x2] =	sbarrier.arrive $0xFFFF  }
0x6e: {  	[sflag:s0] =	ssyncadd.tile.s32 @!p0 $0x1;
	_ =	shalt  }
.Lfunc_end2:
_tile_overlayer_lowered:
.L_overlay_start_2:
0x6f: {  	(tag) =	ssettag $0x2  }
0x70: {  	s0 =	rddreg [dreg:$0x0];
	s2 =	stileid.u32  }
0x71: {  	s1 =	rddreg [dreg:$0x1];
	p0 =	sne.s32 s2, $0x0  }
0x72: {  	s3 =	rddreg [dreg:$0x2];
	[bflag:$0x3] =	sbarrier.arrive $0xFFFF;
	s2 =	simm.s32 @!p0 $0x1C02  }
0x73: {  	[timem:s3], [sflag:s2] =	dma.local @!p0 [hbm:s0], s1  }
0x74: {  	s0 =	simm.s32 @!p0 $0x2  }
0x75: {  	_ =	swait.ge @!p0 [sflag:s0], s1  }
0x76: {  	s1 =	ssub.s32 @!p0 $0x0, s1;
	[sflag:s0] =	ssyncset.done @!p0 $0x0  }
0x77: {  	[sflag:s0] =	ssyncadd.s32 @!p0 s1  }
0x78: {  	[bflag:$0x3] =	sbarrier.arrive $0xFFFF  }
0x79: {  	_ =	shalt  }

// kernel: kernel.8.cloned.1.call-start
scs
__scs_entry_jumppad:
0x0: {  	(pc) =	sbr.rel $0x88, $3  }
0x1: {  	(tag) =	ssettag $0x0;
	lr =	simm.s32 $0x1  }
0x2: {  	[smem:$0x3F9B] =	sst lr;
	_ =	strace $0xD0000000  }
0x3: {  	_ = 	snop  }
0x4: {  	_ = 	snop  }
0x5: {  	_ = 	snop  }
0x6: {  	_ = 	snop  }
0x7: {  	_ = 	snop  }
__scs_overlays_trampoline_lowered:
0x8: {  	[smem:$0x3FAA] =	sst s0  }
0x9: {  	[smem:$0x3FAB] =	sst s1  }
0xa: {  	[smem:$0x3FAC] =	sst s2  }
0xb: {  	[smem:$0x3FAD] =	sst s3  }
0xc: {  	[smem:$0x3FAE] =	sst s4  }
0xd: {  	[smem:$0x3FAF] =	sst s5  }
0xe: {  	[smem:$0x3FB0] =	sst s6  }
0xf: {  	[smem:$0x3FB1] =	sst s7  }
0x10: {  	[smem:$0x3FB2] =	sst s8  }
0x11: {  	[smem:$0x3FB3] =	sst s9;
	s0 =	simm.s32 @!p0 $0x0  }
0x12: {  	s1 =	sld [smem:$0x3F99];
	s0 =	simm.s32 @p0 $0x1  }
0x13: {  	[smem:$0x3FB4] =	sst s0;
	s0 =	simm.s32 @!p1 $0x0  }
0x14: {  	s2 =	sld [smem:$0x3F98];
	s0 =	simm.s32 @p1 $0x1  }
0x15: {  	[smem:$0x3FB5] =	sst s0;
	s0 =	simm.s32 @!p2 $0x0  }
0x16: {  	s3 =	sld [smem:$0x3FDB];
	s0 =	simm.s32 @p2 $0x1  }
0x17: {  	s4 =	simm.s32 $0x1BF5;
	[smem:$0x3FB7] =	sst s0  }
0x18: {  	s0 =	sld [smem:$0x3F9A];
	_ =	swait.ge [sflag:s4], $0x0  }
0x19: {  	s7 =	sld [smem:$0x3F9B]  }
0x1a: {  	s8 =	sadd.s32 $0xFFFFE003, lr  }
0x1b: {  	s9 =	sadd.s32 $0xFFFFFEF7, lr;
	s5 =	simm.s32 $0xFFFFFFFF;
	p2 =	slt.u32 s8, $0xFFFFF086  }
0x1c: {  	p1 =	slt.u32 s9, $0xF7A;
	s5 =	simm.s32 @!p2 $0x0  }
0x1d: {  	s5 =	simm.s32 @p1 $0x1;
	p0 =	seq.s32 s7, s2  }
0x1e: {  	s7 =	smul.u32 @!p0 $0xF7A, s2;
	p2 =	seq.s32 @!p0 s5, $0x0  }
0x1f: {  	s9 =	smul.u32 $0xF7A, s1;
	s8 =	simm.s32 @!p0 $0x1BF5;
	p2 =	por !p2, p0  }
0x20: {  	[sflag:s8] =	ssyncset.s32 @!p0 $0xFFFFF086;
	s6 =	sadd.s32 @!p0 s3, s7;
	s7 =	simm.s32 @!p0 $0x108  }
0x21: {  	s3 =	sadd.s32 s3, s9;
	s6 =	sadd.s32 @!p0 $0x88, s6;
	s7 =	simm.s32 @p2 $0x1082  }
0x22: {  	[simem:s7], [sflag:s8] =	dma.local @!p0 [hbm:s6], $0xF7A  }
0x23: {  	s9 =	sor.u32 $0xD0000000, s2;
	s6 =	simm.s32 $0x108;
	_ =	swait.ge @!p0 [sflag:s8], $0x0  }
0x24: {  	s3 =	sadd.s32 $0x88, s3;
	s6 =	simm.s32 @!p1 $0x1082;
	[sflag:s4] =	ssyncset.s32 $0xFFFFF086  }
0x25: {  	[simem:s6], [sflag:s4] =	dma.local [hbm:s3], $0xF7A  }
0x26: {  	[smem:$0x3F9B] =	sst s1;
	(tag) =	ssettag s2;
	_ =	strace s9  }
0x27: {  	s1 =	sld [smem:$0x3FAB]  }
0x28: {  	s2 =	sld [smem:$0x3FAC]  }
0x29: {  	s4 =	sld [smem:$0x3FAE]  }
0x2a: {  	p0 =	seq.s32 s5, $0x0;
	s5 =	sld [smem:$0x3FAF]  }
0x2b: {  	s6 =	sld [smem:$0x3FB0]  }
0x2c: {  	s7 =	sld [smem:$0x3FB1]  }
0x2d: {  	s3 =	simm.s32 $0x108;
	s8 =	sld [smem:$0x3FB2]  }
0x2e: {  	s3 =	simm.s32 @!p0 $0x1082;
	s9 =	sld [smem:$0x3FB3]  }
0x2f: {  	lr =	sadd.s32 s0, s3;
	s0 =	sld [smem:$0x3FAA]  }
0x30: {  	s3 =	sld [smem:$0x3FAD]  }
0x31: {  	[smem:$0x3FB6] =	sst s10  }
0x32: {  	s10 =	sld [smem:$0x3FB4];
	_ =	sdelay $0x3  }
0x33: {  	p0 =	seq.s32 s10, $0x1;
	s10 =	sld [smem:$0x3FB6];
	_ =	sdelay $0x3  }
0x34: {  	[smem:$0x3FB6] =	sst s10  }
0x35: {  	s10 =	sld [smem:$0x3FB5];
	_ =	sdelay $0x3  }
0x36: {  	p1 =	seq.s32 s10, $0x1;
	s10 =	sld [smem:$0x3FB6];
	_ =	sdelay $0x3  }
0x37: {  	[smem:$0x3FB6] =	sst s10  }
0x38: {  	s10 =	sld [smem:$0x3FB7]  }
0x39: {  	_ = 	snop;
	(pc) =	sbr.ind lr, $3  }
0x3a: {  	_ = 	snop  }
0x3b: {  	_ = 	snop  }
0x3c: {  	p2 =	seq.s32 s10, $0x1;
	s10 =	sld [smem:$0x3FB6]  }
0x3d: {  	_ =	shalt  }
0x3e: {  	_ =	shalt  }
0x3f: {  	_ =	shalt  }
0x40: {  	_ =	shalt  }
0x41: {  	_ =	shalt  }
0x42: {  	_ =	shalt  }
0x43: {  	_ =	shalt  }
0x44: {  	_ =	shalt  }
0x45: {  	_ =	shalt  }
0x46: {  	_ =	shalt  }
0x47: {  	_ =	shalt  }
0x48: {  	_ =	shalt  }
0x49: {  	_ =	shalt  }
0x4a: {  	_ =	shalt  }
0x4b: {  	_ =	shalt  }
0x4c: {  	_ =	shalt  }
0x4d: {  	_ =	shalt  }
0x4e: {  	_ =	shalt  }
0x4f: {  	_ =	shalt  }
0x50: {  	_ =	shalt  }
0x51: {  	_ =	shalt  }
0x52: {  	_ =	shalt  }
0x53: {  	_ =	shalt  }
0x54: {  	_ =	shalt  }
0x55: {  	_ =	shalt  }
0x56: {  	_ =	shalt  }
0x57: {  	_ =	shalt  }
0x58: {  	_ =	shalt  }
0x59: {  	_ =	shalt  }
0x5a: {  	_ =	shalt  }
0x5b: {  	_ =	shalt  }
0x5c: {  	_ =	shalt  }
0x5d: {  	_ =	shalt  }
0x5e: {  	_ =	shalt  }
0x5f: {  	_ =	shalt  }
0x60: {  	_ =	shalt  }
0x61: {  	_ =	shalt  }
0x62: {  	_ =	shalt  }
0x63: {  	_ =	shalt  }
0x64: {  	_ =	shalt  }
0x65: {  	_ =	shalt  }
0x66: {  	_ =	shalt  }
0x67: {  	_ =	shalt  }
0x68: {  	_ =	shalt  }
0x69: {  	_ =	shalt  }
0x6a: {  	_ =	shalt  }
0x6b: {  	_ =	shalt  }
0x6c: {  	_ =	shalt  }
0x6d: {  	_ =	shalt  }
0x6e: {  	_ =	shalt  }
0x6f: {  	_ =	shalt  }
0x70: {  	_ =	shalt  }
0x71: {  	_ =	shalt  }
0x72: {  	_ =	shalt  }
0x73: {  	_ =	shalt  }
0x74: {  	_ =	shalt  }
0x75: {  	_ =	shalt  }
0x76: {  	_ =	shalt  }
0x77: {  	_ =	shalt  }
0x78: {  	_ =	shalt  }
0x79: {  	_ =	shalt  }
0x7a: {  	_ =	shalt  }
0x7b: {  	_ =	shalt  }
0x7c: {  	_ =	shalt  }
0x7d: {  	_ =	shalt  }
0x7e: {  	_ =	shalt  }
0x7f: {  	_ =	shalt  }
0x80: {  	_ =	shalt  }
0x81: {  	_ =	shalt  }
0x82: {  	_ =	shalt  }
0x83: {  	_ =	shalt  }
0x84: {  	_ =	shalt  }
0x85: {  	_ =	shalt  }
0x86: {  	_ =	shalt  }
0x87: {  	_ =	shalt  }
.Lfunc_end0:
.L_simem_size_0:
called_computation_lowered:
.L_overlay_start_0:
0x88: {  	s2 =	sld [smem:$0x3FD9]  }
0x89: {  	s3 =	sld [smem:$0x3FFE];
	_ =	sdelay $0x1  }
0x8a: {  	s1 =	srdreg.scid  }
0x8b: {  	s0 =	sand.u32 $0x1, s1  }
0x8c: {  	s14 =	sshll.u32 s0, $0xA;
	s2 =	sadd.s32 s3, s2  }
0x8d: {  	s2 =	sadd.s32 s2, s14  }
0x8e: {  	[smem:$0x3FC2] =	sst s2  }
0x8f: {  	_ = 	snop  }
0x90: {  	s2 =	sld [smem:$0x3FD0];
	_ =	sdelay $0x2  }
0x91: {  	s15 =	simm.s32 $0xA;
	s4 =	simm.s32 $0x10  }
0x92: {  	[smem:s4], [sflag:s15] =	dma.local [hbm:s2], $0x1  }
0x93: {  	_ =	swait.eq [sflag:s15], $0x1  }
0x94: {  	[sflag:s15] =	ssyncset.done $0x0  }
0x95: {  	[sflag:s15] =	ssyncadd.s32 $0xFFFFFFFF  }
0x96: {  	s16 =	sld [smem:$0x10];
	(tm) =	ssettm $0x1  }
0x97: {  	s17 =	sld [smem:$0x3FFB];
	_ =	sdelay $0x3  }
0x98: {  	_ =	strace s17  }
0x99: {  	s3 =	sld [smem:$0x3FFC];
	_ =	sdelay $0x3  }
0x9a: {  	_ =	strace s3  }
0x9b: {  	s3 =	sld [smem:$0x3FFD];
	_ =	sdelay $0x3  }
0x9c: {  	_ =	strace s3  }
0x9d: {  	_ =	strace $0x8FFFFFFF  }
0x9e: {  	s18 =	sld [smem:$0x3FDB];
	_ =	sdelay $0x1  }
0x9f: {  	s19 =	simm.s32 $_scs_section_size  }
0xa0: {  	s5 =	simm.s32 $_size__tile_overlayer_lowered;
	s6 =	simm.s32 $_tile_overlayer_lowered  }
0xa1: {  	s22 =	simm.s32 $0x1BFF;
	s21 =	sshll.u32 s6, $0x1;
	s3 =	sadd.s32 s19, s18  }
0xa2: {  	s7 =	simm.s32 $0x0;
	s20 =	sshll.u32 s5, $0x1;
	s5 =	sadd.s32 s21, s3  }
0xa3: {  	[timem:s7], [sflag:s22] =	dma.local [hbm:s5], s20  }
0xa4: {  	_ =	swait.ge [sflag:s22], s20  }
0xa5: {  	s4 =	ssub.s32 $0x0, s20;
	[sflag:s22] =	ssyncset.done $0x0  }
0xa6: {  	[sflag:s22] =	ssyncadd.s32 s4;
	_ =	sdelay $0x1  }
0xa7: {  	s23 =	simm.s32 $0x1B8B  }
0xa8: {  	_ =	swait.ge [sflag:s23], $0x1  }
0xa9: {  	[sflag:s23] =	ssyncset.done $0x0  }
0xaa: {  	s25 =	simm.s32 $0x1B8E;
	s24 =	sld [smem:$0x3FFE];
	[sflag:s23] =	ssyncadd.s32 $0xFFFFFFFF  }
0xab: {  	s26 =	simm.s32 $execute0_lowered;
	[smem:$0x3FD2] =	sst s25  }
0xac: {  	s5 =	sshll.u32 s26, $0x1;
	_ =	strace $0x80000046;
	[dreg:$0x1] =	wrdreg $0xFFFFFFFF  }
0xad: {  	s28 =	simm.s32 $_size_execute0_lowered;
	s3 =	sadd.s32 s3, s5;
	[dreg:$0x0] =	wrdreg $0x0  }
0xae: {  	s5 =	sshll.u32 s28, $0x1;
	[dreg:$0x2] =	wrdreg s3  }
0xaf: {  	[dreg:$0x3] =	wrdreg s5  }
0xb0: {  	[dreg:$0x4] =	wrdreg $0xC0  }
0xb1: {  	_ =	task [dreg:s7], $0x5FFFF  }
0xb2: {  	[dreg:$0x1] =	wrdreg $0xFFFFFFFF  }
0xb3: {  	[dreg:$0x0] =	wrdreg $0x60  }
0xb4: {  	[dreg:$0x2] =	wrdreg s16  }
0xb5: {  	[dreg:$0x3] =	wrdreg s24  }
0xb6: {  	[dreg:$0x4] =	wrdreg $0x88000  }
0xb7: {  	[dreg:$0x5] =	wrdreg $0x9  }
0xb8: {  	_ =	task.clear_ibuf [dreg:s7], $0x6FFFF;
	_ =	strace $0x90000046  }
0xb9: {  	s29 =	simm.s32 $0x9;
	_ =	strace $0x80000048  }
0xba: {  	_ =	swait.ge [sflag:s29], $0x1  }
0xbb: {  	[sflag:s29] =	ssyncadd.s32 $0xFFFFFFFF  }
0xbc: {  	_ =	strace $0x90000048  }
0xbd: {  	_ =	sfence  }
0xbe: {  	s30 =	sld [smem:$0x0];
	_ =	sdelay $0x2  }
0xbf: {  	s31 =	sshll.u32 s1, $0xD;
	s1 =	sshrl.u32 s1, $0x2  }
0xc0: {  	s3 =	sand.u32 $0x4000, s31;
	s1 =	sadd.s32 s1, s30  }
0xc1: {  	s0 =	sor.u32 s3, s0;
	s1 =	sshll.u32 s1, $0x11  }
0xc2: {  	s0 =	sor.u32 s1, s0  }
0xc3: {  	s0 =	sadd.s32 $0x8F2B, s0  }
0xc4: {  	[sflag:s0] =	ssyncadd.remote.s32 $0x1  }
0xc5: {  	_ =	sfence.sel $0xFFFF  }
0xc6: {  	[dreg:$0x0] =	wrdreg $0xFFFFFFFF;
	(pc) =	sbr.abs _section_cstart, $3  }
0xc7: {  	[dreg:$0x1] =	wrdreg $0xFFFFFFFF  }
0xc8: {  	_ =	task.clear_ibuf [dreg:s7], $0x2FFFF;
	_ =	strace $0x9FFFFFFF  }
0xc9: {  	(tm) =	ssettm $0x7FFFFFFF  }
tec
execute0_lowered:
.L_overlay_start_1:
0x0: {  	(tag) =	ssettag $0x1  }
0x1: {  	s4 =	rddreg [dreg:$0x0]  }
0x2: {  	s5 =	rddreg [dreg:$0x1];
	s0 =	srdreg.scid  }
0x3: {  	s2 =	rddreg [dreg:$0x2];
	s1 =	stileid.u32  }
0x4: {  	s3 =	simm.s32 $0x0;
	s17 =	simm.s32 $0x1;
	s18 =	simm.s32 $0x6800  }
0x5: {  	s19 =	simm.s32 $0x80;
	s20 =	simm.s32 $0x2800;
	s21 =	simm.s32 $0x0  }
0x6: {  	s6 =	sand.u32 $0x1, s0;
	s0 =	rddreg [dreg:$0x3];
	s8 =	smul.u32 $0x14000, s1  }
0x7: {  	[smem:$0x7FF] =	sst s3;
	s29 =	sshll.u32 s1, $0x1;
	s7 =	smul.u32 $0x140000, s6  }
0x8: {  	s30 =	smul.u32 $0x50000, s1;
	s9 =	ssub.s32 $0x2, s6;
	s6 =	sor.u32 s6, s29  }
0x9: {  	_ =	strace $0x80000047;
	s6 =	smul.u32 $0x500, s6;
	s7 =	sadd.s32 s8, s7  }
0xa: {  	s10 =	sshrl.u32 s9, $0x1;
	s31 =	sshrl.u32 s30, $0x2;
	s7 =	sshrl.u32 s7, $0x3  }
0xb: {  	s9 =	ssub.s32 s9, s10;
	s4 =	sadd.s32 s4, s6;
	s7 =	sadd.s32 s7, s5  }
0xc: {  	s5 =	sadd.s32 s31, s2;
	s6 =	sadd.s32 $0x2200, s7;
	s7 =	smax.u32 s9, $0x1  }
0xd: {  	s8 =	sadd.s32 $0x2000, s5;
	s9 =	sadd.s32 $0x4000, s5;
	s10 =	sadd.s32 $0x6000, s5  }
0xe: {  	s11 =	sadd.s32 $0x8000, s5;
	s12 =	sadd.s32 $0xA000, s5;
	s13 =	sadd.s32 $0xC000, s5  }
0xf: {  	v0 =	vimm.f32 $1.000000000e+00;
	v1 =	vimm.f32 $0.0e+00;
	s14 =	sadd.s32 $0xE000, s5;
	s15 =	sadd.s32 $0x10000, s5;
	s16 =	sadd.s32 $0x12000, s5  }
.LBB2_1:
0x10: {  	[tilespmem:s3], [sflag:$0x1] =	stream.linear.gather [hbm4b:s4+s3], $0x2780, $0x38;
	[tilespmem:$0x1C800] =	vst v63  }
0x11: {  	_ =	swait.ge [sflag:s17], $0x2780  }
0x12: {  	[sflag:s17] =	ssyncset.done $0x0  }
0x13: {  	s22 =	simm.s32 $0x0;
	s23 =	simm.s32 $0x0;
	[sflag:s17] =	ssyncadd.s32 $0xFFFFD880  }
.LBB2_2:
0x14: {  	p0 =	sne.s32 s23, $0xFFC0  }
.Ltmp0:
0x15: {  	_ = 	snop;
	(pc) =	sbr.rel @p0 .LBB2_2-.Ltmp0, $4  }
0x16: {  	s24 =	sand.u32 $0xFE00, s23  }
0x17: {  	s25 =	sand.u32 $0x70, s22;
	s24 =	sshrl.u32 s24, $0x2  }
0x18: {  	s24 =	sor.u32 s25, s24  }
0x19: {  	s22 =	sadd.s32 $0x10, s22;
	s23 =	sadd.s32 $0x40, s23;
	[tilespmem:s24+$0x2800] =	vst v0  }
0x1a: {  	s22 =	simm.s32 $0x0  }
0x1b: {  	s23 =	sand.u32 $0x7E00, s22  }
0x1c: {  	s24 =	sand.u32 $0x70, s22;
	s25 =	sshrl.u32 s23, $0x2  }
0x1d: {  	s23 =	simm.s32 $0x40;
	s24 =	sor.u32 s24, s25  }
.LBB2_4:
0x1e: {  	p0 =	sne.s32 s23, $0x7FC0  }
0x1f: {  	[tilespmem:s24+$0x6800] =	vst v1;
	s22 =	sadd.s32 $0x10, s22;
	s24 =	smov.u32 s23;
	s23 =	sadd.s32 $0x40, s23  }
.Ltmp1:
0x20: {  	(pc) =	sbr.rel @p0 .LBB2_4-.Ltmp1, $4  }
0x21: {  	_ = 	snop  }
0x22: {  	s24 =	sand.u32 $0x7E00, s24  }
0x23: {  	s25 =	sand.u32 $0x70, s22;
	s24 =	sshrl.u32 s24, $0x2  }
0x24: {  	s24 =	sor.u32 s25, s24  }
0x25: {  	[tilespmem:s24+$0x6800] =	vst v1  }
0x26: {  	[spmem:s5] =	stream.linear.scatter [tilespmem:s18], [sflag:$0x1], $0x2000, $0x38;
	[tilespmem:$0x1C800] =	vst v63  }
0x27: {  	_ =	swait.ge [sflag:s17], $0x2000  }
0x28: {  	[sflag:s17] =	ssyncset.done $0x0  }
0x29: {  	[sflag:s17] =	ssyncadd.s32 $0xFFFFE000  }
0x2a: {  	[spmem:s8] =	stream.linear.scatter [tilespmem:s18], [sflag:$0x1], $0x2000, $0x38;
	[tilespmem:$0x1C800] =	vst v63  }
0x2b: {  	_ =	swait.ge [sflag:s17], $0x2000  }
0x2c: {  	[sflag:s17] =	ssyncset.done $0x0  }
0x2d: {  	[sflag:s17] =	ssyncadd.s32 $0xFFFFE000  }
0x2e: {  	[spmem:s9] =	stream.linear.scatter [tilespmem:s18], [sflag:$0x1], $0x2000, $0x38;
	[tilespmem:$0x1C800] =	vst v63  }
0x2f: {  	_ =	swait.ge [sflag:s17], $0x2000  }
0x30: {  	[sflag:s17] =	ssyncset.done $0x0  }
0x31: {  	[sflag:s17] =	ssyncadd.s32 $0xFFFFE000  }
0x32: {  	[spmem:s10] =	stream.linear.scatter [tilespmem:s18], [sflag:$0x1], $0x2000, $0x38;
	[tilespmem:$0x1C800] =	vst v63  }
0x33: {  	_ =	swait.ge [sflag:s17], $0x2000  }
0x34: {  	[sflag:s17] =	ssyncset.done $0x0  }
0x35: {  	[sflag:s17] =	ssyncadd.s32 $0xFFFFE000  }
0x36: {  	[spmem:s11] =	stream.linear.scatter [tilespmem:s18], [sflag:$0x1], $0x2000, $0x38;
	[tilespmem:$0x1C800] =	vst v63  }
0x37: {  	_ =	swait.ge [sflag:s17], $0x2000  }
0x38: {  	[sflag:s17] =	ssyncset.done $0x0  }
0x39: {  	[sflag:s17] =	ssyncadd.s32 $0xFFFFE000  }
0x3a: {  	[spmem:s12] =	stream.linear.scatter [tilespmem:s18], [sflag:$0x1], $0x2000, $0x38;
	[tilespmem:$0x1C800] =	vst v63  }
0x3b: {  	_ =	swait.ge [sflag:s17], $0x2000  }
0x3c: {  	[sflag:s17] =	ssyncset.done $0x0  }
0x3d: {  	[sflag:s17] =	ssyncadd.s32 $0xFFFFE000  }
0x3e: {  	[spmem:s13] =	stream.linear.scatter [tilespmem:s18], [sflag:$0x1], $0x2000, $0x38;
	[tilespmem:$0x1C800] =	vst v63  }
0x3f: {  	_ =	swait.ge [sflag:s17], $0x2000  }
0x40: {  	[sflag:s17] =	ssyncset.done $0x0  }
0x41: {  	[sflag:s17] =	ssyncadd.s32 $0xFFFFE000  }
0x42: {  	[spmem:s14] =	stream.linear.scatter [tilespmem:s18], [sflag:$0x1], $0x2000, $0x38;
	[tilespmem:$0x1C800] =	vst v63  }
0x43: {  	_ =	swait.ge [sflag:s17], $0x2000  }
0x44: {  	[sflag:s17] =	ssyncset.done $0x0  }
0x45: {  	[sflag:s17] =	ssyncadd.s32 $0xFFFFE000  }
0x46: {  	[spmem:s15] =	stream.linear.scatter [tilespmem:s18], [sflag:$0x1], $0x2000, $0x38;
	[tilespmem:$0x1C800] =	vst v63  }
0x47: {  	_ =	swait.ge [sflag:s17], $0x2000  }
0x48: {  	[sflag:s17] =	ssyncset.done $0x0  }
0x49: {  	[sflag:s17] =	ssyncadd.s32 $0xFFFFE000  }
0x4a: {  	[spmem:s16] =	stream.linear.scatter [tilespmem:s18], [sflag:$0x1], $0x2000, $0x38;
	[tilespmem:$0x1C800] =	vst v63  }
0x4b: {  	_ =	swait.ge [sflag:s17], $0x2000  }
0x4c: {  	[sflag:s17] =	ssyncset.done $0x0  }
0x4d: {  	[sflag:s17] =	ssyncadd.s32 $0xFFFFE000  }
0x4e: {  	s22 =	simm.s32 $0x0;
	[bflag:$0x0] =	sbarrier.arrive $0xFFFF  }
0x4f: {  	[spmem:s2] =	stream.indirect.scatter.add.f32 [tilespmem:s20], [sflag:$0x1], $0x80, s22, s19, $0xb8;
	[tilespmem:$0x1C800] =	vst v63  }
0x50: {  	_ =	swait.ge [sflag:s17], $0x4000  }
0x51: {  	s22 =	simm.s32 $0x200;
	[sflag:s17] =	ssyncset.done $0x0  }
.LBB2_6:
0x52: {  	s23 =	sshra.s32 s22, $0x2;
	[sflag:s17] =	ssyncadd.s32 $0xFFFFC000;
	p0 =	sne.s32 s22, $0x9C00  }
0x53: {  	[spmem:s2] =	stream.indirect.scatter.add.f32 [tilespmem:s20], [sflag:$0x1], $0x80, s23, s19, $0xb8;
	[tilespmem:$0x1C800] =	vst v63  }
.Ltmp2:
0x54: {  	_ = 	snop;
	(pc) =	sbr.rel @p0 .LBB2_6-.Ltmp2, $4  }
0x55: {  	_ = 	snop  }
0x56: {  	s22 =	sadd.s32 $0x200, s22  }
0x57: {  	_ =	swait.ge [sflag:s17], $0x4000  }
0x58: {  	[sflag:s17] =	ssyncset.done $0x0  }
0x59: {  	[sflag:s17] =	ssyncadd.s32 $0xFFFFC000;
	s21 =	sadd.s32 $0x1, s21  }
0x5a: {  	s22 =	sshll.u32 s1, $0x6;
	s23 =	sshrl.u32 s5, $0x3;
	p0 =	sne.s32 s21, s7  }
.Ltmp3:
0x5b: {  	[bflag:$0x0] =	sbarrier.arrive $0xFFFF;
	s22 =	sor.u32 $0x1C01, s22;
	(pc) =	sbr.rel @p0 .LBB2_1-.Ltmp3, $4  }
0x5c: {  	[hbm:s6], [sflag:s22] =	dma.local [spmem:s23], $0x2800  }
0x5d: {  	_ =	swait.ge [sflag:s17], $0x2800  }
0x5e: {  	[sflag:s17] =	ssyncset.done $0x0  }
0x5f: {  	[sflag:s17] =	ssyncadd.s32 $0xFFFFD800  }
0x60: {  	_ =	sfence.sel $0x180000  }
0x61: {  	[bflag:$0x0] =	sbarrier.arrive $0xFFFF  }
0x62: {  	p0 =	sne.s32 s1, $0x0;
	_ =	strace $0x90000047  }
0x63: {  	s0 =	sadd.s32 @!p0 $0x100000, s0;
	[bflag:$0x2] =	sbarrier.arrive $0xFFFF  }
0x64: {  	[sflag:s0] =	ssyncadd.tile.s32 @!p0 $0x1;
	_ =	shalt  }
.Lfunc_end2:
_tile_overlayer_lowered:
.L_overlay_start_2:
0x65: {  	(tag) =	ssettag $0x2  }
0x66: {  	s0 =	rddreg [dreg:$0x0];
	s2 =	stileid.u32  }
0x67: {  	s1 =	rddreg [dreg:$0x1];
	p0 =	sne.s32 s2, $0x0  }
0x68: {  	s3 =	rddreg [dreg:$0x2];
	[bflag:$0x3] =	sbarrier.arrive $0xFFFF;
	s2 =	simm.s32 @!p0 $0x1C01  }
0x69: {  	[timem:s3], [sflag:s2] =	dma.local @!p0 [hbm:s0], s1  }
0x6a: {  	s0 =	simm.s32 @!p0 $0x1  }
0x6b: {  	_ =	swait.ge @!p0 [sflag:s0], s1  }
0x6c: {  	s1 =	ssub.s32 @!p0 $0x0, s1;
	[sflag:s0] =	ssyncset.done @!p0 $0x0  }
0x6d: {  	[sflag:s0] =	ssyncadd.s32 @!p0 s1  }
0x6e: {  	[bflag:$0x3] =	sbarrier.arrive $0xFFFF  }
0x6f: {  	_ =	shalt  }

</sc_bundles>
